<compile_context>
chip_gen: v7x
topology: tpu7x:2x2x1
jax: 0.10.2.dev20260603
libtpu: 0.0.44.dev20260713+nightly
codegen_flags: <defaults>
</compile_context>

<pallas_src>
import functools

import jax
import jax.numpy as jnp
from jax import lax
from jax.experimental import pallas as pl
from jax.experimental.pallas import tpu as pltpu
from jax.experimental.pallas import tpu_sc as plsc

N = 100000
C = 64
K = 27
EK = 50000
TOT = K * EK
NW = 32
PER_W = 43008
PAD = NW * PER_W
GCH = 384
GNB = GCH // 128
GNC = PER_W // GCH
RV = 20224
RP = RV // 2
P = 5
SPR = 10240
ZCH = 64
PPW = RP // 16
DUMMY = 1 << 28

_mesh = plsc.VectorSubcoreMesh(core_axis_name="c", subcore_axis_name="s")


@functools.partial(
    pl.kernel,
    mesh=_mesh,
    out_type=jax.ShapeDtypeStruct((PAD, 128), jnp.float32),
    scratch_types=[
        pltpu.VMEM((GCH,), jnp.int32),
        pltpu.VMEM((GCH,), jnp.int32),
        pltpu.VMEM((GCH, 128), jnp.float32),
        pltpu.VMEM((GCH, 128), jnp.float32),
        pltpu.SemaphoreType.DMA,
        pltpu.SemaphoreType.DMA,
        pltpu.SemaphoreType.DMA,
        pltpu.SemaphoreType.DMA,
    ],
)
def _sc_gather(x2_hbm, idx_hbm, out_hbm,
               idxbuf0, idxbuf1, rowbuf0, rowbuf1, sg0, sg1, sw0, sw1):
    c = lax.axis_index("c")
    s = lax.axis_index("s")
    wid = c * 16 + s
    base = wid * PER_W

    def body(j, carry):
        off0 = base + (2 * j) * GCH
        off1 = off0 + GCH
        pltpu.sync_copy(idx_hbm.at[pl.ds(off0, GCH)], idxbuf0)

        @pl.when(j > 0)
        def _():
            pltpu.make_async_copy(
                rowbuf0, out_hbm.at[pl.ds(0, GCH), :], sw0).wait()

        g0 = [pltpu.async_copy(
            x2_hbm.at[idxbuf0.at[pl.ds(k * 128, 128)]],
            rowbuf0.at[pl.ds(k * 128, 128), :], sg0) for k in range(GNB)]
        pltpu.sync_copy(idx_hbm.at[pl.ds(off1, GCH)], idxbuf1)

        @pl.when(j > 0)
        def _():
            pltpu.make_async_copy(
                rowbuf1, out_hbm.at[pl.ds(0, GCH), :], sw1).wait()

        g1 = [pltpu.async_copy(
            x2_hbm.at[idxbuf1.at[pl.ds(k * 128, 128)]],
            rowbuf1.at[pl.ds(k * 128, 128), :], sg1) for k in range(GNB)]
        for h in g0:
            h.wait()
        pltpu.async_copy(rowbuf0, out_hbm.at[pl.ds(off0, GCH), :], sw0)
        for h in g1:
            h.wait()
        pltpu.async_copy(rowbuf1, out_hbm.at[pl.ds(off1, GCH), :], sw1)
        return carry

    lax.fori_loop(0, GNC // 2, body, 0)
    pltpu.make_async_copy(rowbuf0, out_hbm.at[pl.ds(0, GCH), :], sw0).wait()
    pltpu.make_async_copy(rowbuf1, out_hbm.at[pl.ds(0, GCH), :], sw1).wait()


@functools.partial(
    pl.kernel,
    mesh=_mesh,
    out_type=jax.ShapeDtypeStruct((2, P * RP, 128), jnp.float32),
    scratch_types=[
        pltpu.VMEM((256,), jnp.int32),
        pltpu.VMEM((1, 128), jnp.int32),
        pltpu.VMEM((1, 128), jnp.int32),
        pltpu.VMEM((128, 128), jnp.float32),
        pltpu.VMEM((128, 128), jnp.float32),
        pltpu.VMEM((ZCH, 128), jnp.float32),
        pltpu.VMEM_SHARED((SPR, 128), jnp.float32),
        pltpu.SemaphoreType.DMA,
        pltpu.SemaphoreType.DMA,
        pltpu.SemaphoreType.DMA,
        pltpu.SemaphoreType.DMA,
    ],
)
def _sc_scatter(oidx_hbm, msg_hbm, zeros_hbm, part_hbm,
                oidxbuf, clocA, clocB, stageA, stageB,
                zerobuf, spmem, sga, sgb, ssa, ssb):
    c = lax.axis_index("c")
    s = lax.axis_index("s")
    wid = c * 16 + s
    base = wid * PER_W
    pltpu.sync_copy(zeros_hbm, zerobuf)

    def phase(p, carry):
        plsc.subcore_barrier()
        for z in range(10):
            pltpu.sync_copy(
                zerobuf, spmem.at[pl.ds((s * 10 + z) * ZCH, ZCH), :])
        plsc.subcore_barrier()
        lo = p * RV

        def pair(j, carry2):
            off = base + j * 256
            pltpu.sync_copy(oidx_hbm.at[pl.ds(off, 256)], oidxbuf)

            @pl.when(j > 0)
            def _():
                pltpu.make_async_copy(
                    stageA, spmem.at[clocA.at[0]], ssa).wait()

            ga = pltpu.async_copy(
                msg_hbm.at[pl.ds(off, 128), :], stageA, sga)
            for i in range(8):
                v = oidxbuf[pl.ds(i * 16, 16)]
                loc = v - lo
                ok = (loc >= 0) & (loc < RV)
                pair_r = lax.shift_right_logical(loc, 1)
                dummy = RP + (lax.shift_right_logical(v, 1) & 127)
                clocA[0, pl.ds(i * 16, 16)] = jnp.where(ok, pair_r, dummy)

            @pl.when(j > 0)
            def _():
                pltpu.make_async_copy(
                    stageB, spmem.at[clocB.at[0]], ssb).wait()

            gb = pltpu.async_copy(
                msg_hbm.at[pl.ds(off + 128, 128), :], stageB, sgb)
            for i in range(8):
                v = oidxbuf[pl.ds(128 + i * 16, 16)]
                loc = v - lo
                ok = (loc >= 0) & (loc < RV)
                pair_r = lax.shift_right_logical(loc, 1)
                dummy = RP + (lax.shift_right_logical(v, 1) & 127)
                clocB[0, pl.ds(i * 16, 16)] = jnp.where(ok, pair_r, dummy)
            ga.wait()
            pltpu.async_copy(stageA, spmem.at[clocA.at[0]], ssa, add=True)
            gb.wait()
            pltpu.async_copy(stageB, spmem.at[clocB.at[0]], ssb, add=True)
            return carry2

        lax.fori_loop(0, PER_W // 256, pair, 0)
        pltpu.make_async_copy(stageA, spmem.at[clocA.at[0]], ssa).wait()
        pltpu.make_async_copy(stageB, spmem.at[clocB.at[0]], ssb).wait()
        plsc.subcore_barrier()

        pltpu.sync_copy(
            spmem.at[pl.ds(s * PPW, PPW), :],
            part_hbm.at[c, pl.ds(p * RP + s * PPW, PPW), :],
        )
        return carry

    lax.fori_loop(0, P, phase, 0)


def _mm_body(a_ref, w_ref, o_ref):
    o_ref[...] = lax.dot_general(
        a_ref[...].astype(jnp.bfloat16), w_ref[0],
        (((1,), (0,)), ((), ())),
        preferred_element_type=jnp.float32,
    )


_mm = pl.pallas_call(
    _mm_body,
    grid=(K, 25),
    in_specs=[
        pl.BlockSpec((2000, 128), lambda k, i: (k * 25 + i, 0)),
        pl.BlockSpec((1, 128, 128), lambda k, i: (k, 0, 0)),
    ],
    out_specs=pl.BlockSpec((2000, 128), lambda k, i: (k * 25 + i, 0)),
    out_shape=jax.ShapeDtypeStruct((PAD, 128), jnp.float32),

)


def _add_body(a_ref, b_ref, o_ref):
    o_ref[...] = a_ref[...] + b_ref[...]


_addk = pl.pallas_call(
    _add_body,
    grid=(40,),
    in_specs=[
        pl.BlockSpec((1264, 128), lambda i: (i, 0)),
        pl.BlockSpec((1264, 128), lambda i: (i, 0)),
    ],
    out_specs=pl.BlockSpec((1264, 128), lambda i: (i, 0)),
    out_shape=jax.ShapeDtypeStruct((P * RP, 128), jnp.float32),
)


def kernel(x, in_idx, out_idx, kernel):
    in_flat = in_idx.reshape(-1).astype(jnp.int32)
    out_flat = out_idx.reshape(-1).astype(jnp.int32)
    x2 = jnp.concatenate(
        [jnp.pad(x, ((0, 0), (0, 64))), jnp.pad(x, ((0, 0), (64, 0)))])
    gidx = in_flat + N * (out_flat & 1)
    ar = jnp.arange(PAD - TOT, dtype=jnp.int32)
    in_pad = jnp.concatenate([gidx, ar % N])
    out_pad = jnp.concatenate([out_flat, DUMMY + 2 * (ar % 128)])
    wb = kernel.astype(jnp.bfloat16)
    w2 = jnp.zeros((K, 128, 128), jnp.bfloat16)
    w2 = w2.at[:, :C, :C].set(wb).at[:, C:, C:].set(wb)
    zeros = jnp.zeros((ZCH, 128), jnp.float32)

    gathered = _sc_gather(x2, in_pad)
    msg2 = _mm(gathered, w2)
    parts = _sc_scatter(out_pad, msg2, zeros)
    res = _addk(parts[0], parts[1])
    return res[:N // 2].reshape(N, C)

# --- scband reference (transcript-rebuilt; emitter-appended) ---
"""Pipeline reference for scband-conv3d-32942399160800 (READ-ONLY COPY).

The authoritative reference and input builder live on the scoring server;
editing this copy changes nothing except your own understanding.
"""

import jax, jax.numpy as jnp
import numpy as np

N = 100000      # active voxels (both input and output coordinate sets)
C_IN = 64
C_OUT = 64
K = 27          # kernel volume 3*3*3
EK = 50000      # gather/scatter pairs per kernel offset


def setup_inputs(seed: int = 0) -> dict:
    key = jax.random.key(seed)
    k1, k2, k3, k4 = jax.random.split(key, 4)
    x = jax.random.normal(k1, (N, C_IN), dtype=jnp.float32)
    in_idx = jax.random.randint(k2, (K, EK), 0, N, dtype=jnp.int64) if jax.config.read('jax_enable_x64') else jax.random.randint(k2, (K, EK), 0, N, dtype=jnp.int32)
    out_idx = jax.random.randint(k3, (K, EK), 0, N, dtype=jnp.int32)
    # kernel init matches reset_parameters: uniform(-std, std), std = 1/sqrt(in_channels * kernel_volume)
    std = 1.0 / np.sqrt(C_IN * K)
    kernel = jax.random.uniform(k4, (K, C_IN, C_OUT), minval=-std, maxval=std, dtype=jnp.float32)
    return {"x": x, "in_idx": in_idx, "out_idx": out_idx, "kernel": kernel}


def reference(x, in_idx, out_idx, kernel):
    # Sparse 3D convolution, gather-matmul-scatter formulation (torchsparse F.conv3d semantics):
    # for each kernel offset k, out[out_idx[k]] += x[in_idx[k]] @ kernel[k]
    out = jnp.zeros((N, kernel.shape[-1]), dtype=x.dtype)
    for k in range(K):
        gathered = jnp.take(x, in_idx[k], axis=0)        # [EK, C_IN] gather
        msg = gathered @ kernel[k]                        # [EK, C_OUT] per-offset matmul
        out = out.at[out_idx[k]].add(msg)                 # scatter-add to output voxels
    return out

if __name__ == "__main__":
    import jax
    _d = setup_inputs()
    print(jax.jit(kernel)(*tuple(_d.values())))

</pallas_src>

<mosaic_0001>
#map = affine_map<(d0, d1) -> (0)>
#map1 = affine_map<(d0, d1) -> (0, 0)>
#map2 = affine_map<(d0, d1) -> (0, 0, 0)>
module attributes {stable_mosaic.version = 14 : i64} {
  func.func @_sc_scatter(%arg0: i32, %arg1: i32, %arg2: memref<1376256xi32, #tpu.memory_space<hbm>>, %arg3: memref<1376256x128xf32, #tpu.memory_space<hbm>>, %arg4: memref<64x128xf32, #tpu.memory_space<hbm>>, %arg5: memref<2x50560x128xf32, #tpu.memory_space<hbm>>, %arg6: memref<256xi32, #tpu.memory_space<vmem>>, %arg7: memref<1x128xi32, #tpu.memory_space<vmem>>, %arg8: memref<1x128xi32, #tpu.memory_space<vmem>>, %arg9: memref<128x128xf32, #tpu.memory_space<vmem>>, %arg10: memref<128x128xf32, #tpu.memory_space<vmem>>, %arg11: memref<64x128xf32, #tpu.memory_space<vmem>>, %arg12: memref<10240x128xf32, #tpu.memory_space<vmem_shared>>, %arg13: memref<!tpu.dma_semaphore, #tpu.memory_space<semaphore_mem>>, %arg14: memref<!tpu.dma_semaphore, #tpu.memory_space<semaphore_mem>>, %arg15: memref<!tpu.dma_semaphore, #tpu.memory_space<semaphore_mem>>, %arg16: memref<!tpu.dma_semaphore, #tpu.memory_space<semaphore_mem>>) attributes {dimension_semantics = [#tpu.dimension_semantics<core_parallel>, #tpu.dimension_semantics<subcore_parallel>], iteration_bounds = array<i64: 2, 16>, scalar_prefetch = 0 : i64, scratch_operands = 11 : i64, tpu.core_type = #tpu.core_type<sc_vector_subcore>, window_params = [{transform_indices = #map}, {transform_indices = #map1}, {transform_indices = #map1}, {transform_indices = #map2}]} {
    %mul3A = arith.constant 16 : i32
    %mul3A_0 = arith.muli %arg0, %mul3A : i32
    %add3A = arith.addi %mul3A_0, %arg1 : i32
    %mul3A_1 = arith.constant 43008 : i32
    %mul3A_2 = arith.muli %add3A, %mul3A_1 : i32
    "tpu.region"() ({
      %run_scoped3A = tpu.sem_alloc : memref<!tpu.dma_semaphore, #tpu.memory_space<semaphore_mem>>
      tpu.enqueue_dma source(%arg4 : memref<64x128xf32, #tpu.memory_space<hbm>>) target(%arg11 : memref<64x128xf32, #tpu.memory_space<vmem>>) target_semaphore(%run_scoped3A : memref<!tpu.dma_semaphore, #tpu.memory_space<semaphore_mem>>)
      tpu.wait_dma2 semaphore(%run_scoped3A : memref<!tpu.dma_semaphore, #tpu.memory_space<semaphore_mem>>) src(%arg4 : memref<64x128xf32, #tpu.memory_space<hbm>>) dst(%arg11 : memref<64x128xf32, #tpu.memory_space<vmem>>)
      tpu.yield
    }) : () -> ()
    %scan3A = arith.constant 0 : i32
    %scan3A_3 = arith.constant 0 : i32
    %scan3A_4 = arith.constant 5 : i32
    %scan3A_5 = arith.addi %scan3A_3, %scan3A_4 : i32
    %scan3A_6 = arith.constant 1 : i32
    scf.for %scan3A_8 = %scan3A_3 to %scan3A_5 step %scan3A_6  : i32 {
      %barrier3A = arith.constant 0 : index
      tpu.barrier barrier_id(%barrier3A)
      %mul3A_9 = arith.constant 10 : i32
      %mul3A_10 = arith.muli %arg1, %mul3A_9 : i32
      %add3A_11 = arith.constant 0 : i32
      %add3A_12 = arith.addi %mul3A_10, %add3A_11 : i32
      %mul3A_13 = arith.constant 64 : i32
      %mul3A_14 = arith.muli %add3A_12, %mul3A_13 : i32
      "tpu.region"() ({
        %run_scoped3A = tpu.sem_alloc : memref<!tpu.dma_semaphore, #tpu.memory_space<semaphore_mem>>
        %dma_start3A = arith.constant 0 : i32
        %dma_start3A_99 = tpu.memref_slice %arg12[%mul3A_14, %dma_start3A] : memref<10240x128xf32, #tpu.memory_space<vmem_shared>> -> memref<64x128xf32, #tpu.memory_space<vmem_shared>>
        %dma_start3A_100 = arith.constant 0 : i32
        %dma_start3A_101 = tpu.memref_slice %arg12[%mul3A_14, %dma_start3A_100] : memref<10240x128xf32, #tpu.memory_space<vmem_shared>> -> memref<64x128xf32, #tpu.memory_space<vmem_shared>>
        tpu.enqueue_dma source(%arg11 : memref<64x128xf32, #tpu.memory_space<vmem>>) target(%dma_start3A_101 : memref<64x128xf32, #tpu.memory_space<vmem_shared>>) target_semaphore(%run_scoped3A : memref<!tpu.dma_semaphore, #tpu.memory_space<semaphore_mem>>)
        %dma_wait3A_102 = arith.constant 0 : i32
        %dma_wait3A_103 = tpu.memref_slice %arg12[%mul3A_14, %dma_wait3A_102] : memref<10240x128xf32, #tpu.memory_space<vmem_shared>> -> memref<64x128xf32, #tpu.memory_space<vmem_shared>>
        %dma_wait3A_104 = arith.constant 0 : i32
        %dma_wait3A_105 = tpu.memref_slice %arg12[%mul3A_14, %dma_wait3A_104] : memref<10240x128xf32, #tpu.memory_space<vmem_shared>> -> memref<64x128xf32, #tpu.memory_space<vmem_shared>>
        tpu.wait_dma2 semaphore(%run_scoped3A : memref<!tpu.dma_semaphore, #tpu.memory_space<semaphore_mem>>) src(%arg11 : memref<64x128xf32, #tpu.memory_space<vmem>>) dst(%dma_wait3A_105 : memref<64x128xf32, #tpu.memory_space<vmem_shared>>)
        tpu.yield
      }) : () -> ()
      %mul3A_15 = arith.constant 10 : i32
      %mul3A_16 = arith.muli %arg1, %mul3A_15 : i32
      %add3A_17 = arith.constant 1 : i32
      %add3A_18 = arith.addi %mul3A_16, %add3A_17 : i32
      %mul3A_19 = arith.constant 64 : i32
      %mul3A_20 = arith.muli %add3A_18, %mul3A_19 : i32
      "tpu.region"() ({
        %run_scoped3A = tpu.sem_alloc : memref<!tpu.dma_semaphore, #tpu.memory_space<semaphore_mem>>
        %dma_start3A = arith.constant 0 : i32
        %dma_start3A_99 = tpu.memref_slice %arg12[%mul3A_20, %dma_start3A] : memref<10240x128xf32, #tpu.memory_space<vmem_shared>> -> memref<64x128xf32, #tpu.memory_space<vmem_shared>>
        %dma_start3A_100 = arith.constant 0 : i32
        %dma_start3A_101 = tpu.memref_slice %arg12[%mul3A_20, %dma_start3A_100] : memref<10240x128xf32, #tpu.memory_space<vmem_shared>> -> memref<64x128xf32, #tpu.memory_space<vmem_shared>>
        tpu.enqueue_dma source(%arg11 : memref<64x128xf32, #tpu.memory_space<vmem>>) target(%dma_start3A_101 : memref<64x128xf32, #tpu.memory_space<vmem_shared>>) target_semaphore(%run_scoped3A : memref<!tpu.dma_semaphore, #tpu.memory_space<semaphore_mem>>)
        %dma_wait3A_102 = arith.constant 0 : i32
        %dma_wait3A_103 = tpu.memref_slice %arg12[%mul3A_20, %dma_wait3A_102] : memref<10240x128xf32, #tpu.memory_space<vmem_shared>> -> memref<64x128xf32, #tpu.memory_space<vmem_shared>>
        %dma_wait3A_104 = arith.constant 0 : i32
        %dma_wait3A_105 = tpu.memref_slice %arg12[%mul3A_20, %dma_wait3A_104] : memref<10240x128xf32, #tpu.memory_space<vmem_shared>> -> memref<64x128xf32, #tpu.memory_space<vmem_shared>>
        tpu.wait_dma2 semaphore(%run_scoped3A : memref<!tpu.dma_semaphore, #tpu.memory_space<semaphore_mem>>) src(%arg11 : memref<64x128xf32, #tpu.memory_space<vmem>>) dst(%dma_wait3A_105 : memref<64x128xf32, #tpu.memory_space<vmem_shared>>)
        tpu.yield
      }) : () -> ()
      %mul3A_21 = arith.constant 10 : i32
      %mul3A_22 = arith.muli %arg1, %mul3A_21 : i32
      %add3A_23 = arith.constant 2 : i32
      %add3A_24 = arith.addi %mul3A_22, %add3A_23 : i32
      %mul3A_25 = arith.constant 64 : i32
      %mul3A_26 = arith.muli %add3A_24, %mul3A_25 : i32
      "tpu.region"() ({
        %run_scoped3A = tpu.sem_alloc : memref<!tpu.dma_semaphore, #tpu.memory_space<semaphore_mem>>
        %dma_start3A = arith.constant 0 : i32
        %dma_start3A_99 = tpu.memref_slice %arg12[%mul3A_26, %dma_start3A] : memref<10240x128xf32, #tpu.memory_space<vmem_shared>> -> memref<64x128xf32, #tpu.memory_space<vmem_shared>>
        %dma_start3A_100 = arith.constant 0 : i32
        %dma_start3A_101 = tpu.memref_slice %arg12[%mul3A_26, %dma_start3A_100] : memref<10240x128xf32, #tpu.memory_space<vmem_shared>> -> memref<64x128xf32, #tpu.memory_space<vmem_shared>>
        tpu.enqueue_dma source(%arg11 : memref<64x128xf32, #tpu.memory_space<vmem>>) target(%dma_start3A_101 : memref<64x128xf32, #tpu.memory_space<vmem_shared>>) target_semaphore(%run_scoped3A : memref<!tpu.dma_semaphore, #tpu.memory_space<semaphore_mem>>)
        %dma_wait3A_102 = arith.constant 0 : i32
        %dma_wait3A_103 = tpu.memref_slice %arg12[%mul3A_26, %dma_wait3A_102] : memref<10240x128xf32, #tpu.memory_space<vmem_shared>> -> memref<64x128xf32, #tpu.memory_space<vmem_shared>>
        %dma_wait3A_104 = arith.constant 0 : i32
        %dma_wait3A_105 = tpu.memref_slice %arg12[%mul3A_26, %dma_wait3A_104] : memref<10240x128xf32, #tpu.memory_space<vmem_shared>> -> memref<64x128xf32, #tpu.memory_space<vmem_shared>>
        tpu.wait_dma2 semaphore(%run_scoped3A : memref<!tpu.dma_semaphore, #tpu.memory_space<semaphore_mem>>) src(%arg11 : memref<64x128xf32, #tpu.memory_space<vmem>>) dst(%dma_wait3A_105 : memref<64x128xf32, #tpu.memory_space<vmem_shared>>)
        tpu.yield
      }) : () -> ()
      %mul3A_27 = arith.constant 10 : i32
      %mul3A_28 = arith.muli %arg1, %mul3A_27 : i32
      %add3A_29 = arith.constant 3 : i32
      %add3A_30 = arith.addi %mul3A_28, %add3A_29 : i32
      %mul3A_31 = arith.constant 64 : i32
      %mul3A_32 = arith.muli %add3A_30, %mul3A_31 : i32
      "tpu.region"() ({
        %run_scoped3A = tpu.sem_alloc : memref<!tpu.dma_semaphore, #tpu.memory_space<semaphore_mem>>
        %dma_start3A = arith.constant 0 : i32
        %dma_start3A_99 = tpu.memref_slice %arg12[%mul3A_32, %dma_start3A] : memref<10240x128xf32, #tpu.memory_space<vmem_shared>> -> memref<64x128xf32, #tpu.memory_space<vmem_shared>>
        %dma_start3A_100 = arith.constant 0 : i32
        %dma_start3A_101 = tpu.memref_slice %arg12[%mul3A_32, %dma_start3A_100] : memref<10240x128xf32, #tpu.memory_space<vmem_shared>> -> memref<64x128xf32, #tpu.memory_space<vmem_shared>>
        tpu.enqueue_dma source(%arg11 : memref<64x128xf32, #tpu.memory_space<vmem>>) target(%dma_start3A_101 : memref<64x128xf32, #tpu.memory_space<vmem_shared>>) target_semaphore(%run_scoped3A : memref<!tpu.dma_semaphore, #tpu.memory_space<semaphore_mem>>)
        %dma_wait3A_102 = arith.constant 0 : i32
        %dma_wait3A_103 = tpu.memref_slice %arg12[%mul3A_32, %dma_wait3A_102] : memref<10240x128xf32, #tpu.memory_space<vmem_shared>> -> memref<64x128xf32, #tpu.memory_space<vmem_shared>>
        %dma_wait3A_104 = arith.constant 0 : i32
        %dma_wait3A_105 = tpu.memref_slice %arg12[%mul3A_32, %dma_wait3A_104] : memref<10240x128xf32, #tpu.memory_space<vmem_shared>> -> memref<64x128xf32, #tpu.memory_space<vmem_shared>>
        tpu.wait_dma2 semaphore(%run_scoped3A : memref<!tpu.dma_semaphore, #tpu.memory_space<semaphore_mem>>) src(%arg11 : memref<64x128xf32, #tpu.memory_space<vmem>>) dst(%dma_wait3A_105 : memref<64x128xf32, #tpu.memory_space<vmem_shared>>)
        tpu.yield
      }) : () -> ()
      %mul3A_33 = arith.constant 10 : i32
      %mul3A_34 = arith.muli %arg1, %mul3A_33 : i32
      %add3A_35 = arith.constant 4 : i32
      %add3A_36 = arith.addi %mul3A_34, %add3A_35 : i32
      %mul3A_37 = arith.constant 64 : i32
      %mul3A_38 = arith.muli %add3A_36, %mul3A_37 : i32
      "tpu.region"() ({
        %run_scoped3A = tpu.sem_alloc : memref<!tpu.dma_semaphore, #tpu.memory_space<semaphore_mem>>
        %dma_start3A = arith.constant 0 : i32
        %dma_start3A_99 = tpu.memref_slice %arg12[%mul3A_38, %dma_start3A] : memref<10240x128xf32, #tpu.memory_space<vmem_shared>> -> memref<64x128xf32, #tpu.memory_space<vmem_shared>>
        %dma_start3A_100 = arith.constant 0 : i32
        %dma_start3A_101 = tpu.memref_slice %arg12[%mul3A_38, %dma_start3A_100] : memref<10240x128xf32, #tpu.memory_space<vmem_shared>> -> memref<64x128xf32, #tpu.memory_space<vmem_shared>>
        tpu.enqueue_dma source(%arg11 : memref<64x128xf32, #tpu.memory_space<vmem>>) target(%dma_start3A_101 : memref<64x128xf32, #tpu.memory_space<vmem_shared>>) target_semaphore(%run_scoped3A : memref<!tpu.dma_semaphore, #tpu.memory_space<semaphore_mem>>)
        %dma_wait3A_102 = arith.constant 0 : i32
        %dma_wait3A_103 = tpu.memref_slice %arg12[%mul3A_38, %dma_wait3A_102] : memref<10240x128xf32, #tpu.memory_space<vmem_shared>> -> memref<64x128xf32, #tpu.memory_space<vmem_shared>>
        %dma_wait3A_104 = arith.constant 0 : i32
        %dma_wait3A_105 = tpu.memref_slice %arg12[%mul3A_38, %dma_wait3A_104] : memref<10240x128xf32, #tpu.memory_space<vmem_shared>> -> memref<64x128xf32, #tpu.memory_space<vmem_shared>>
        tpu.wait_dma2 semaphore(%run_scoped3A : memref<!tpu.dma_semaphore, #tpu.memory_space<semaphore_mem>>) src(%arg11 : memref<64x128xf32, #tpu.memory_space<vmem>>) dst(%dma_wait3A_105 : memref<64x128xf32, #tpu.memory_space<vmem_shared>>)
        tpu.yield
      }) : () -> ()
      %mul3A_39 = arith.constant 10 : i32
      %mul3A_40 = arith.muli %arg1, %mul3A_39 : i32
      %add3A_41 = arith.constant 5 : i32
      %add3A_42 = arith.addi %mul3A_40, %add3A_41 : i32
      %mul3A_43 = arith.constant 64 : i32
      %mul3A_44 = arith.muli %add3A_42, %mul3A_43 : i32
      "tpu.region"() ({
        %run_scoped3A = tpu.sem_alloc : memref<!tpu.dma_semaphore, #tpu.memory_space<semaphore_mem>>
        %dma_start3A = arith.constant 0 : i32
        %dma_start3A_99 = tpu.memref_slice %arg12[%mul3A_44, %dma_start3A] : memref<10240x128xf32, #tpu.memory_space<vmem_shared>> -> memref<64x128xf32, #tpu.memory_space<vmem_shared>>
        %dma_start3A_100 = arith.constant 0 : i32
        %dma_start3A_101 = tpu.memref_slice %arg12[%mul3A_44, %dma_start3A_100] : memref<10240x128xf32, #tpu.memory_space<vmem_shared>> -> memref<64x128xf32, #tpu.memory_space<vmem_shared>>
        tpu.enqueue_dma source(%arg11 : memref<64x128xf32, #tpu.memory_space<vmem>>) target(%dma_start3A_101 : memref<64x128xf32, #tpu.memory_space<vmem_shared>>) target_semaphore(%run_scoped3A : memref<!tpu.dma_semaphore, #tpu.memory_space<semaphore_mem>>)
        %dma_wait3A_102 = arith.constant 0 : i32
        %dma_wait3A_103 = tpu.memref_slice %arg12[%mul3A_44, %dma_wait3A_102] : memref<10240x128xf32, #tpu.memory_space<vmem_shared>> -> memref<64x128xf32, #tpu.memory_space<vmem_shared>>
        %dma_wait3A_104 = arith.constant 0 : i32
        %dma_wait3A_105 = tpu.memref_slice %arg12[%mul3A_44, %dma_wait3A_104] : memref<10240x128xf32, #tpu.memory_space<vmem_shared>> -> memref<64x128xf32, #tpu.memory_space<vmem_shared>>
        tpu.wait_dma2 semaphore(%run_scoped3A : memref<!tpu.dma_semaphore, #tpu.memory_space<semaphore_mem>>) src(%arg11 : memref<64x128xf32, #tpu.memory_space<vmem>>) dst(%dma_wait3A_105 : memref<64x128xf32, #tpu.memory_space<vmem_shared>>)
        tpu.yield
      }) : () -> ()
      %mul3A_45 = arith.constant 10 : i32
      %mul3A_46 = arith.muli %arg1, %mul3A_45 : i32
      %add3A_47 = arith.constant 6 : i32
      %add3A_48 = arith.addi %mul3A_46, %add3A_47 : i32
      %mul3A_49 = arith.constant 64 : i32
      %mul3A_50 = arith.muli %add3A_48, %mul3A_49 : i32
      "tpu.region"() ({
        %run_scoped3A = tpu.sem_alloc : memref<!tpu.dma_semaphore, #tpu.memory_space<semaphore_mem>>
        %dma_start3A = arith.constant 0 : i32
        %dma_start3A_99 = tpu.memref_slice %arg12[%mul3A_50, %dma_start3A] : memref<10240x128xf32, #tpu.memory_space<vmem_shared>> -> memref<64x128xf32, #tpu.memory_space<vmem_shared>>
        %dma_start3A_100 = arith.constant 0 : i32
        %dma_start3A_101 = tpu.memref_slice %arg12[%mul3A_50, %dma_start3A_100] : memref<10240x128xf32, #tpu.memory_space<vmem_shared>> -> memref<64x128xf32, #tpu.memory_space<vmem_shared>>
        tpu.enqueue_dma source(%arg11 : memref<64x128xf32, #tpu.memory_space<vmem>>) target(%dma_start3A_101 : memref<64x128xf32, #tpu.memory_space<vmem_shared>>) target_semaphore(%run_scoped3A : memref<!tpu.dma_semaphore, #tpu.memory_space<semaphore_mem>>)
        %dma_wait3A_102 = arith.constant 0 : i32
        %dma_wait3A_103 = tpu.memref_slice %arg12[%mul3A_50, %dma_wait3A_102] : memref<10240x128xf32, #tpu.memory_space<vmem_shared>> -> memref<64x128xf32, #tpu.memory_space<vmem_shared>>
        %dma_wait3A_104 = arith.constant 0 : i32
        %dma_wait3A_105 = tpu.memref_slice %arg12[%mul3A_50, %dma_wait3A_104] : memref<10240x128xf32, #tpu.memory_space<vmem_shared>> -> memref<64x128xf32, #tpu.memory_space<vmem_shared>>
        tpu.wait_dma2 semaphore(%run_scoped3A : memref<!tpu.dma_semaphore, #tpu.memory_space<semaphore_mem>>) src(%arg11 : memref<64x128xf32, #tpu.memory_space<vmem>>) dst(%dma_wait3A_105 : memref<64x128xf32, #tpu.memory_space<vmem_shared>>)
        tpu.yield
      }) : () -> ()
      %mul3A_51 = arith.constant 10 : i32
      %mul3A_52 = arith.muli %arg1, %mul3A_51 : i32
      %add3A_53 = arith.constant 7 : i32
      %add3A_54 = arith.addi %mul3A_52, %add3A_53 : i32
      %mul3A_55 = arith.constant 64 : i32
      %mul3A_56 = arith.muli %add3A_54, %mul3A_55 : i32
      "tpu.region"() ({
        %run_scoped3A = tpu.sem_alloc : memref<!tpu.dma_semaphore, #tpu.memory_space<semaphore_mem>>
        %dma_start3A = arith.constant 0 : i32
        %dma_start3A_99 = tpu.memref_slice %arg12[%mul3A_56, %dma_start3A] : memref<10240x128xf32, #tpu.memory_space<vmem_shared>> -> memref<64x128xf32, #tpu.memory_space<vmem_shared>>
        %dma_start3A_100 = arith.constant 0 : i32
        %dma_start3A_101 = tpu.memref_slice %arg12[%mul3A_56, %dma_start3A_100] : memref<10240x128xf32, #tpu.memory_space<vmem_shared>> -> memref<64x128xf32, #tpu.memory_space<vmem_shared>>
        tpu.enqueue_dma source(%arg11 : memref<64x128xf32, #tpu.memory_space<vmem>>) target(%dma_start3A_101 : memref<64x128xf32, #tpu.memory_space<vmem_shared>>) target_semaphore(%run_scoped3A : memref<!tpu.dma_semaphore, #tpu.memory_space<semaphore_mem>>)
        %dma_wait3A_102 = arith.constant 0 : i32
        %dma_wait3A_103 = tpu.memref_slice %arg12[%mul3A_56, %dma_wait3A_102] : memref<10240x128xf32, #tpu.memory_space<vmem_shared>> -> memref<64x128xf32, #tpu.memory_space<vmem_shared>>
        %dma_wait3A_104 = arith.constant 0 : i32
        %dma_wait3A_105 = tpu.memref_slice %arg12[%mul3A_56, %dma_wait3A_104] : memref<10240x128xf32, #tpu.memory_space<vmem_shared>> -> memref<64x128xf32, #tpu.memory_space<vmem_shared>>
        tpu.wait_dma2 semaphore(%run_scoped3A : memref<!tpu.dma_semaphore, #tpu.memory_space<semaphore_mem>>) src(%arg11 : memref<64x128xf32, #tpu.memory_space<vmem>>) dst(%dma_wait3A_105 : memref<64x128xf32, #tpu.memory_space<vmem_shared>>)
        tpu.yield
      }) : () -> ()
      %mul3A_57 = arith.constant 10 : i32
      %mul3A_58 = arith.muli %arg1, %mul3A_57 : i32
      %add3A_59 = arith.constant 8 : i32
      %add3A_60 = arith.addi %mul3A_58, %add3A_59 : i32
      %mul3A_61 = arith.constant 64 : i32
      %mul3A_62 = arith.muli %add3A_60, %mul3A_61 : i32
      "tpu.region"() ({
        %run_scoped3A = tpu.sem_alloc : memref<!tpu.dma_semaphore, #tpu.memory_space<semaphore_mem>>
        %dma_start3A = arith.constant 0 : i32
        %dma_start3A_99 = tpu.memref_slice %arg12[%mul3A_62, %dma_start3A] : memref<10240x128xf32, #tpu.memory_space<vmem_shared>> -> memref<64x128xf32, #tpu.memory_space<vmem_shared>>
        %dma_start3A_100 = arith.constant 0 : i32
        %dma_start3A_101 = tpu.memref_slice %arg12[%mul3A_62, %dma_start3A_100] : memref<10240x128xf32, #tpu.memory_space<vmem_shared>> -> memref<64x128xf32, #tpu.memory_space<vmem_shared>>
        tpu.enqueue_dma source(%arg11 : memref<64x128xf32, #tpu.memory_space<vmem>>) target(%dma_start3A_101 : memref<64x128xf32, #tpu.memory_space<vmem_shared>>) target_semaphore(%run_scoped3A : memref<!tpu.dma_semaphore, #tpu.memory_space<semaphore_mem>>)
        %dma_wait3A_102 = arith.constant 0 : i32
        %dma_wait3A_103 = tpu.memref_slice %arg12[%mul3A_62, %dma_wait3A_102] : memref<10240x128xf32, #tpu.memory_space<vmem_shared>> -> memref<64x128xf32, #tpu.memory_space<vmem_shared>>
        %dma_wait3A_104 = arith.constant 0 : i32
        %dma_wait3A_105 = tpu.memref_slice %arg12[%mul3A_62, %dma_wait3A_104] : memref<10240x128xf32, #tpu.memory_space<vmem_shared>> -> memref<64x128xf32, #tpu.memory_space<vmem_shared>>
        tpu.wait_dma2 semaphore(%run_scoped3A : memref<!tpu.dma_semaphore, #tpu.memory_space<semaphore_mem>>) src(%arg11 : memref<64x128xf32, #tpu.memory_space<vmem>>) dst(%dma_wait3A_105 : memref<64x128xf32, #tpu.memory_space<vmem_shared>>)
        tpu.yield
      }) : () -> ()
      %mul3A_63 = arith.constant 10 : i32
      %mul3A_64 = arith.muli %arg1, %mul3A_63 : i32
      %add3A_65 = arith.constant 9 : i32
      %add3A_66 = arith.addi %mul3A_64, %add3A_65 : i32
      %mul3A_67 = arith.constant 64 : i32
      %mul3A_68 = arith.muli %add3A_66, %mul3A_67 : i32
      "tpu.region"() ({
        %run_scoped3A = tpu.sem_alloc : memref<!tpu.dma_semaphore, #tpu.memory_space<semaphore_mem>>
        %dma_start3A = arith.constant 0 : i32
        %dma_start3A_99 = tpu.memref_slice %arg12[%mul3A_68, %dma_start3A] : memref<10240x128xf32, #tpu.memory_space<vmem_shared>> -> memref<64x128xf32, #tpu.memory_space<vmem_shared>>
        %dma_start3A_100 = arith.constant 0 : i32
        %dma_start3A_101 = tpu.memref_slice %arg12[%mul3A_68, %dma_start3A_100] : memref<10240x128xf32, #tpu.memory_space<vmem_shared>> -> memref<64x128xf32, #tpu.memory_space<vmem_shared>>
        tpu.enqueue_dma source(%arg11 : memref<64x128xf32, #tpu.memory_space<vmem>>) target(%dma_start3A_101 : memref<64x128xf32, #tpu.memory_space<vmem_shared>>) target_semaphore(%run_scoped3A : memref<!tpu.dma_semaphore, #tpu.memory_space<semaphore_mem>>)
        %dma_wait3A_102 = arith.constant 0 : i32
        %dma_wait3A_103 = tpu.memref_slice %arg12[%mul3A_68, %dma_wait3A_102] : memref<10240x128xf32, #tpu.memory_space<vmem_shared>> -> memref<64x128xf32, #tpu.memory_space<vmem_shared>>
        %dma_wait3A_104 = arith.constant 0 : i32
        %dma_wait3A_105 = tpu.memref_slice %arg12[%mul3A_68, %dma_wait3A_104] : memref<10240x128xf32, #tpu.memory_space<vmem_shared>> -> memref<64x128xf32, #tpu.memory_space<vmem_shared>>
        tpu.wait_dma2 semaphore(%run_scoped3A : memref<!tpu.dma_semaphore, #tpu.memory_space<semaphore_mem>>) src(%arg11 : memref<64x128xf32, #tpu.memory_space<vmem>>) dst(%dma_wait3A_105 : memref<64x128xf32, #tpu.memory_space<vmem_shared>>)
        tpu.yield
      }) : () -> ()
      %barrier3A_69 = arith.constant 0 : index
      tpu.barrier barrier_id(%barrier3A_69)
      %mul3A_70 = arith.constant 20224 : i32
      %mul3A_71 = arith.muli %scan3A_8, %mul3A_70 : i32
      %scan3A_72 = arith.constant 0 : i32
      %scan3A_73 = arith.constant 0 : i32
      %scan3A_74 = arith.constant 168 : i32
      %scan3A_75 = arith.addi %scan3A_73, %scan3A_74 : i32
      %scan3A_76 = arith.constant 1 : i32
      scf.for %scan3A_99 = %scan3A_73 to %scan3A_75 step %scan3A_76  : i32 {
        %mul3A_100 = arith.constant 256 : i32
        %mul3A_101 = arith.muli %scan3A_99, %mul3A_100 : i32
        %add3A_102 = arith.addi %mul3A_2, %mul3A_101 : i32
        "tpu.region"() ({
          %run_scoped3A = tpu.sem_alloc : memref<!tpu.dma_semaphore, #tpu.memory_space<semaphore_mem>>
          %dma_start3A_629 = tpu.memref_slice %arg2[%add3A_102] : memref<1376256xi32, #tpu.memory_space<hbm>> -> memref<256xi32, #tpu.memory_space<hbm>>
          %dma_start3A_630 = tpu.memref_slice %arg2[%add3A_102] : memref<1376256xi32, #tpu.memory_space<hbm>> -> memref<256xi32, #tpu.memory_space<hbm>>
          tpu.enqueue_dma source(%dma_start3A_630 : memref<256xi32, #tpu.memory_space<hbm>>) target(%arg6 : memref<256xi32, #tpu.memory_space<vmem>>) target_semaphore(%run_scoped3A : memref<!tpu.dma_semaphore, #tpu.memory_space<semaphore_mem>>)
          %dma_wait3A_631 = tpu.memref_slice %arg2[%add3A_102] : memref<1376256xi32, #tpu.memory_space<hbm>> -> memref<256xi32, #tpu.memory_space<hbm>>
          %dma_wait3A_632 = tpu.memref_slice %arg2[%add3A_102] : memref<1376256xi32, #tpu.memory_space<hbm>> -> memref<256xi32, #tpu.memory_space<hbm>>
          tpu.wait_dma2 semaphore(%run_scoped3A : memref<!tpu.dma_semaphore, #tpu.memory_space<semaphore_mem>>) src(%dma_wait3A_632 : memref<256xi32, #tpu.memory_space<hbm>>) dst(%arg6 : memref<256xi32, #tpu.memory_space<vmem>>)
          tpu.yield
        }) : () -> ()
        %gt3A = arith.constant 0 : i32
        %gt3A_103 = arith.cmpi sgt, %scan3A_99, %gt3A : i32
        %convert_element_type3A = arith.extui %gt3A_103 : i1 to i32
        %cond3A = arith.constant 0 : i32
        %cond3A_104 = arith.cmpi ne, %convert_element_type3A, %cond3A : i32
        scf.if %cond3A_104 {
          %dma_wait3A_629 = arith.constant 0 : i32
          %dma_wait3A_630 = arith.constant 0 : i32
          %dma_wait3A_631 = tpu.memref_slice %arg7[%dma_wait3A_629, %dma_wait3A_630] : memref<1x128xi32, #tpu.memory_space<vmem>> -> memref<1x128xi32, #tpu.memory_space<vmem>>
          %dma_wait3A_632 = tpu.memref_squeeze %dma_wait3A_631 : memref<1x128xi32, #tpu.memory_space<vmem>> -> memref<128xi32, #tpu.memory_space<vmem>>
          %dma_wait3A_633 = arith.constant 0 : i32
          %dma_wait3A_634 = arith.constant 0 : i32
          %dma_wait3A_635 = tpu.memref_slice %arg12[%dma_wait3A_633, %dma_wait3A_634] : memref<10240x128xf32, #tpu.memory_space<vmem_shared>> -> memref<10240x128xf32, #tpu.memory_space<vmem_shared>>
          tpu.wait_indirect_dma semaphore(%arg15 : memref<!tpu.dma_semaphore, #tpu.memory_space<semaphore_mem>>) src(%arg9 : memref<128x128xf32, #tpu.memory_space<vmem>>) dst(%dma_wait3A_635 : memref<10240x128xf32, #tpu.memory_space<vmem_shared>>)
        } else {
        }
        %dma_start3A = arith.constant 0 : i32
        %dma_start3A_105 = tpu.memref_slice %arg3[%add3A_102, %dma_start3A] : memref<1376256x128xf32, #tpu.memory_space<hbm>> -> memref<128x128xf32, #tpu.memory_space<hbm>>
        %dma_start3A_106 = arith.constant 0 : i32
        %dma_start3A_107 = tpu.memref_slice %arg3[%add3A_102, %dma_start3A_106] : memref<1376256x128xf32, #tpu.memory_space<hbm>> -> memref<128x128xf32, #tpu.memory_space<hbm>>
        tpu.enqueue_dma source(%dma_start3A_107 : memref<128x128xf32, #tpu.memory_space<hbm>>) target(%arg9 : memref<128x128xf32, #tpu.memory_space<vmem>>) target_semaphore(%arg13 : memref<!tpu.dma_semaphore, #tpu.memory_space<semaphore_mem>>)
        %get3A = arith.constant 0 : index
        %get3A_108 = tpu.vector_load %arg6[%get3A] {strides = array<i32>} : memref<256xi32, #tpu.memory_space<vmem>>, vector<16xi32>,
        %get3A_109 = vector.shape_cast %get3A_108 : vector<16xi32> to vector<16xi32>
        %sub3A = vector.broadcast %mul3A_71 : i32 to vector<16xi32>
        %sub3A_110 = arith.subi %get3A_109, %sub3A : vector<16xi32>
        %ge3A = arith.constant 0 : i32
        %ge3A_111 = vector.broadcast %ge3A : i32 to vector<16xi32>
        %ge3A_112 = arith.cmpi sge, %sub3A_110, %ge3A_111 : vector<16xi32>
        %lt3A = arith.constant 20224 : i32
        %lt3A_113 = vector.broadcast %lt3A : i32 to vector<16xi32>
        %lt3A_114 = arith.cmpi slt, %sub3A_110, %lt3A_113 : vector<16xi32>
        %and3A = arith.andi %ge3A_112, %lt3A_114 : vector<16xi1>
        %shift_right_logical3A = arith.constant 1 : i32
        %shift_right_logical3A_115 = vector.broadcast %shift_right_logical3A : i32 to vector<16xi32>
        %shift_right_logical3A_116 = arith.shrui %sub3A_110, %shift_right_logical3A_115 : vector<16xi32>
        %shift_right_logical3A_117 = arith.constant 1 : i32
        %shift_right_logical3A_118 = vector.broadcast %shift_right_logical3A_117 : i32 to vector<16xi32>
        %shift_right_logical3A_119 = arith.shrui %get3A_109, %shift_right_logical3A_118 : vector<16xi32>
        %and3A_120 = arith.constant 127 : i32
        %and3A_121 = vector.broadcast %and3A_120 : i32 to vector<16xi32>
        %and3A_122 = arith.andi %shift_right_logical3A_119, %and3A_121 : vector<16xi32>
        %add3A_123 = arith.constant 10112 : i32
        %add3A_124 = vector.broadcast %add3A_123 : i32 to vector<16xi32>
        %add3A_125 = arith.addi %add3A_124, %and3A_122 : vector<16xi32>
        %select_n3A = arith.select %and3A, %shift_right_logical3A_116, %add3A_125 : vector<16xi1>, vector<16xi32>
        %swap3A = arith.constant 0 : i32
        %swap3A_126 = arith.index_cast %swap3A : i32 to index
        %swap3A_127 = arith.constant 0 : index
        %swap3A_128 = tpu.vector_load %arg7[%swap3A_126, %swap3A_127] {strides = array<i32>} : memref<1x128xi32, #tpu.memory_space<vmem>>, vector<1x16xi32>,
        %swap3A_129 = vector.shape_cast %swap3A_128 : vector<1x16xi32> to vector<16xi32>
        %swap3A_130 = vector.shape_cast %select_n3A : vector<16xi32> to vector<1x16xi32>
        tpu.vector_store %arg7[%swap3A_126, %swap3A_127], %swap3A_130 {strides = array<i32>} : memref<1x128xi32, #tpu.memory_space<vmem>>, vector<1x16xi32>,
        %get3A_131 = arith.constant 16 : index
        %get3A_132 = tpu.vector_load %arg6[%get3A_131] {strides = array<i32>} : memref<256xi32, #tpu.memory_space<vmem>>, vector<16xi32>,
        %get3A_133 = vector.shape_cast %get3A_132 : vector<16xi32> to vector<16xi32>
        %sub3A_134 = vector.broadcast %mul3A_71 : i32 to vector<16xi32>
        %sub3A_135 = arith.subi %get3A_133, %sub3A_134 : vector<16xi32>
        %ge3A_136 = arith.constant 0 : i32
        %ge3A_137 = vector.broadcast %ge3A_136 : i32 to vector<16xi32>
        %ge3A_138 = arith.cmpi sge, %sub3A_135, %ge3A_137 : vector<16xi32>
        %lt3A_139 = arith.constant 20224 : i32
        %lt3A_140 = vector.broadcast %lt3A_139 : i32 to vector<16xi32>
        %lt3A_141 = arith.cmpi slt, %sub3A_135, %lt3A_140 : vector<16xi32>
        %and3A_142 = arith.andi %ge3A_138, %lt3A_141 : vector<16xi1>
        %shift_right_logical3A_143 = arith.constant 1 : i32
        %shift_right_logical3A_144 = vector.broadcast %shift_right_logical3A_143 : i32 to vector<16xi32>
        %shift_right_logical3A_145 = arith.shrui %sub3A_135, %shift_right_logical3A_144 : vector<16xi32>
        %shift_right_logical3A_146 = arith.constant 1 : i32
        %shift_right_logical3A_147 = vector.broadcast %shift_right_logical3A_146 : i32 to vector<16xi32>
        %shift_right_logical3A_148 = arith.shrui %get3A_133, %shift_right_logical3A_147 : vector<16xi32>
        %and3A_149 = arith.constant 127 : i32
        %and3A_150 = vector.broadcast %and3A_149 : i32 to vector<16xi32>
        %and3A_151 = arith.andi %shift_right_logical3A_148, %and3A_150 : vector<16xi32>
        %add3A_152 = arith.constant 10112 : i32
        %add3A_153 = vector.broadcast %add3A_152 : i32 to vector<16xi32>
        %add3A_154 = arith.addi %add3A_153, %and3A_151 : vector<16xi32>
        %select_n3A_155 = arith.select %and3A_142, %shift_right_logical3A_145, %add3A_154 : vector<16xi1>, vector<16xi32>
        %swap3A_156 = arith.constant 0 : i32
        %swap3A_157 = arith.index_cast %swap3A_156 : i32 to index
        %swap3A_158 = arith.constant 16 : index
        %swap3A_159 = tpu.vector_load %arg7[%swap3A_157, %swap3A_158] {strides = array<i32>} : memref<1x128xi32, #tpu.memory_space<vmem>>, vector<1x16xi32>,
        %swap3A_160 = vector.shape_cast %swap3A_159 : vector<1x16xi32> to vector<16xi32>
        %swap3A_161 = vector.shape_cast %select_n3A_155 : vector<16xi32> to vector<1x16xi32>
        tpu.vector_store %arg7[%swap3A_157, %swap3A_158], %swap3A_161 {strides = array<i32>} : memref<1x128xi32, #tpu.memory_space<vmem>>, vector<1x16xi32>,
        %get3A_162 = arith.constant 32 : index
        %get3A_163 = tpu.vector_load %arg6[%get3A_162] {strides = array<i32>} : memref<256xi32, #tpu.memory_space<vmem>>, vector<16xi32>,
        %get3A_164 = vector.shape_cast %get3A_163 : vector<16xi32> to vector<16xi32>
        %sub3A_165 = vector.broadcast %mul3A_71 : i32 to vector<16xi32>
        %sub3A_166 = arith.subi %get3A_164, %sub3A_165 : vector<16xi32>
        %ge3A_167 = arith.constant 0 : i32
        %ge3A_168 = vector.broadcast %ge3A_167 : i32 to vector<16xi32>
        %ge3A_169 = arith.cmpi sge, %sub3A_166, %ge3A_168 : vector<16xi32>
        %lt3A_170 = arith.constant 20224 : i32
        %lt3A_171 = vector.broadcast %lt3A_170 : i32 to vector<16xi32>
        %lt3A_172 = arith.cmpi slt, %sub3A_166, %lt3A_171 : vector<16xi32>
        %and3A_173 = arith.andi %ge3A_169, %lt3A_172 : vector<16xi1>
        %shift_right_logical3A_174 = arith.constant 1 : i32
        %shift_right_logical3A_175 = vector.broadcast %shift_right_logical3A_174 : i32 to vector<16xi32>
        %shift_right_logical3A_176 = arith.shrui %sub3A_166, %shift_right_logical3A_175 : vector<16xi32>
        %shift_right_logical3A_177 = arith.constant 1 : i32
        %shift_right_logical3A_178 = vector.broadcast %shift_right_logical3A_177 : i32 to vector<16xi32>
        %shift_right_logical3A_179 = arith.shrui %get3A_164, %shift_right_logical3A_178 : vector<16xi32>
        %and3A_180 = arith.constant 127 : i32
        %and3A_181 = vector.broadcast %and3A_180 : i32 to vector<16xi32>
        %and3A_182 = arith.andi %shift_right_logical3A_179, %and3A_181 : vector<16xi32>
        %add3A_183 = arith.constant 10112 : i32
        %add3A_184 = vector.broadcast %add3A_183 : i32 to vector<16xi32>
        %add3A_185 = arith.addi %add3A_184, %and3A_182 : vector<16xi32>
        %select_n3A_186 = arith.select %and3A_173, %shift_right_logical3A_176, %add3A_185 : vector<16xi1>, vector<16xi32>
        %swap3A_187 = arith.constant 0 : i32
        %swap3A_188 = arith.index_cast %swap3A_187 : i32 to index
        %swap3A_189 = arith.constant 32 : index
        %swap3A_190 = tpu.vector_load %arg7[%swap3A_188, %swap3A_189] {strides = array<i32>} : memref<1x128xi32, #tpu.memory_space<vmem>>, vector<1x16xi32>,
        %swap3A_191 = vector.shape_cast %swap3A_190 : vector<1x16xi32> to vector<16xi32>
        %swap3A_192 = vector.shape_cast %select_n3A_186 : vector<16xi32> to vector<1x16xi32>
        tpu.vector_store %arg7[%swap3A_188, %swap3A_189], %swap3A_192 {strides = array<i32>} : memref<1x128xi32, #tpu.memory_space<vmem>>, vector<1x16xi32>,
        %get3A_193 = arith.constant 48 : index
        %get3A_194 = tpu.vector_load %arg6[%get3A_193] {strides = array<i32>} : memref<256xi32, #tpu.memory_space<vmem>>, vector<16xi32>,
        %get3A_195 = vector.shape_cast %get3A_194 : vector<16xi32> to vector<16xi32>
        %sub3A_196 = vector.broadcast %mul3A_71 : i32 to vector<16xi32>
        %sub3A_197 = arith.subi %get3A_195, %sub3A_196 : vector<16xi32>
        %ge3A_198 = arith.constant 0 : i32
        %ge3A_199 = vector.broadcast %ge3A_198 : i32 to vector<16xi32>
        %ge3A_200 = arith.cmpi sge, %sub3A_197, %ge3A_199 : vector<16xi32>
        %lt3A_201 = arith.constant 20224 : i32
        %lt3A_202 = vector.broadcast %lt3A_201 : i32 to vector<16xi32>
        %lt3A_203 = arith.cmpi slt, %sub3A_197, %lt3A_202 : vector<16xi32>
        %and3A_204 = arith.andi %ge3A_200, %lt3A_203 : vector<16xi1>
        %shift_right_logical3A_205 = arith.constant 1 : i32
        %shift_right_logical3A_206 = vector.broadcast %shift_right_logical3A_205 : i32 to vector<16xi32>
        %shift_right_logical3A_207 = arith.shrui %sub3A_197, %shift_right_logical3A_206 : vector<16xi32>
        %shift_right_logical3A_208 = arith.constant 1 : i32
        %shift_right_logical3A_209 = vector.broadcast %shift_right_logical3A_208 : i32 to vector<16xi32>
        %shift_right_logical3A_210 = arith.shrui %get3A_195, %shift_right_logical3A_209 : vector<16xi32>
        %and3A_211 = arith.constant 127 : i32
        %and3A_212 = vector.broadcast %and3A_211 : i32 to vector<16xi32>
        %and3A_213 = arith.andi %shift_right_logical3A_210, %and3A_212 : vector<16xi32>
        %add3A_214 = arith.constant 10112 : i32
        %add3A_215 = vector.broadcast %add3A_214 : i32 to vector<16xi32>
        %add3A_216 = arith.addi %add3A_215, %and3A_213 : vector<16xi32>
        %select_n3A_217 = arith.select %and3A_204, %shift_right_logical3A_207, %add3A_216 : vector<16xi1>, vector<16xi32>
        %swap3A_218 = arith.constant 0 : i32
        %swap3A_219 = arith.index_cast %swap3A_218 : i32 to index
        %swap3A_220 = arith.constant 48 : index
        %swap3A_221 = tpu.vector_load %arg7[%swap3A_219, %swap3A_220] {strides = array<i32>} : memref<1x128xi32, #tpu.memory_space<vmem>>, vector<1x16xi32>,
        %swap3A_222 = vector.shape_cast %swap3A_221 : vector<1x16xi32> to vector<16xi32>
        %swap3A_223 = vector.shape_cast %select_n3A_217 : vector<16xi32> to vector<1x16xi32>
        tpu.vector_store %arg7[%swap3A_219, %swap3A_220], %swap3A_223 {strides = array<i32>} : memref<1x128xi32, #tpu.memory_space<vmem>>, vector<1x16xi32>,
        %get3A_224 = arith.constant 64 : index
        %get3A_225 = tpu.vector_load %arg6[%get3A_224] {strides = array<i32>} : memref<256xi32, #tpu.memory_space<vmem>>, vector<16xi32>,
        %get3A_226 = vector.shape_cast %get3A_225 : vector<16xi32> to vector<16xi32>
        %sub3A_227 = vector.broadcast %mul3A_71 : i32 to vector<16xi32>
        %sub3A_228 = arith.subi %get3A_226, %sub3A_227 : vector<16xi32>
        %ge3A_229 = arith.constant 0 : i32
        %ge3A_230 = vector.broadcast %ge3A_229 : i32 to vector<16xi32>
        %ge3A_231 = arith.cmpi sge, %sub3A_228, %ge3A_230 : vector<16xi32>
        %lt3A_232 = arith.constant 20224 : i32
        %lt3A_233 = vector.broadcast %lt3A_232 : i32 to vector<16xi32>
        %lt3A_234 = arith.cmpi slt, %sub3A_228, %lt3A_233 : vector<16xi32>
        %and3A_235 = arith.andi %ge3A_231, %lt3A_234 : vector<16xi1>
        %shift_right_logical3A_236 = arith.constant 1 : i32
        %shift_right_logical3A_237 = vector.broadcast %shift_right_logical3A_236 : i32 to vector<16xi32>
        %shift_right_logical3A_238 = arith.shrui %sub3A_228, %shift_right_logical3A_237 : vector<16xi32>
        %shift_right_logical3A_239 = arith.constant 1 : i32
        %shift_right_logical3A_240 = vector.broadcast %shift_right_logical3A_239 : i32 to vector<16xi32>
        %shift_right_logical3A_241 = arith.shrui %get3A_226, %shift_right_logical3A_240 : vector<16xi32>
        %and3A_242 = arith.constant 127 : i32
        %and3A_243 = vector.broadcast %and3A_242 : i32 to vector<16xi32>
        %and3A_244 = arith.andi %shift_right_logical3A_241, %and3A_243 : vector<16xi32>
        %add3A_245 = arith.constant 10112 : i32
        %add3A_246 = vector.broadcast %add3A_245 : i32 to vector<16xi32>
        %add3A_247 = arith.addi %add3A_246, %and3A_244 : vector<16xi32>
        %select_n3A_248 = arith.select %and3A_235, %shift_right_logical3A_238, %add3A_247 : vector<16xi1>, vector<16xi32>
        %swap3A_249 = arith.constant 0 : i32
        %swap3A_250 = arith.index_cast %swap3A_249 : i32 to index
        %swap3A_251 = arith.constant 64 : index
        %swap3A_252 = tpu.vector_load %arg7[%swap3A_250, %swap3A_251] {strides = array<i32>} : memref<1x128xi32, #tpu.memory_space<vmem>>, vector<1x16xi32>,
        %swap3A_253 = vector.shape_cast %swap3A_252 : vector<1x16xi32> to vector<16xi32>
        %swap3A_254 = vector.shape_cast %select_n3A_248 : vector<16xi32> to vector<1x16xi32>
        tpu.vector_store %arg7[%swap3A_250, %swap3A_251], %swap3A_254 {strides = array<i32>} : memref<1x128xi32, #tpu.memory_space<vmem>>, vector<1x16xi32>,
        %get3A_255 = arith.constant 80 : index
        %get3A_256 = tpu.vector_load %arg6[%get3A_255] {strides = array<i32>} : memref<256xi32, #tpu.memory_space<vmem>>, vector<16xi32>,
        %get3A_257 = vector.shape_cast %get3A_256 : vector<16xi32> to vector<16xi32>
        %sub3A_258 = vector.broadcast %mul3A_71 : i32 to vector<16xi32>
        %sub3A_259 = arith.subi %get3A_257, %sub3A_258 : vector<16xi32>
        %ge3A_260 = arith.constant 0 : i32
        %ge3A_261 = vector.broadcast %ge3A_260 : i32 to vector<16xi32>
        %ge3A_262 = arith.cmpi sge, %sub3A_259, %ge3A_261 : vector<16xi32>
        %lt3A_263 = arith.constant 20224 : i32
        %lt3A_264 = vector.broadcast %lt3A_263 : i32 to vector<16xi32>
        %lt3A_265 = arith.cmpi slt, %sub3A_259, %lt3A_264 : vector<16xi32>
        %and3A_266 = arith.andi %ge3A_262, %lt3A_265 : vector<16xi1>
        %shift_right_logical3A_267 = arith.constant 1 : i32
        %shift_right_logical3A_268 = vector.broadcast %shift_right_logical3A_267 : i32 to vector<16xi32>
        %shift_right_logical3A_269 = arith.shrui %sub3A_259, %shift_right_logical3A_268 : vector<16xi32>
        %shift_right_logical3A_270 = arith.constant 1 : i32
        %shift_right_logical3A_271 = vector.broadcast %shift_right_logical3A_270 : i32 to vector<16xi32>
        %shift_right_logical3A_272 = arith.shrui %get3A_257, %shift_right_logical3A_271 : vector<16xi32>
        %and3A_273 = arith.constant 127 : i32
        %and3A_274 = vector.broadcast %and3A_273 : i32 to vector<16xi32>
        %and3A_275 = arith.andi %shift_right_logical3A_272, %and3A_274 : vector<16xi32>
        %add3A_276 = arith.constant 10112 : i32
        %add3A_277 = vector.broadcast %add3A_276 : i32 to vector<16xi32>
        %add3A_278 = arith.addi %add3A_277, %and3A_275 : vector<16xi32>
        %select_n3A_279 = arith.select %and3A_266, %shift_right_logical3A_269, %add3A_278 : vector<16xi1>, vector<16xi32>
        %swap3A_280 = arith.constant 0 : i32
        %swap3A_281 = arith.index_cast %swap3A_280 : i32 to index
        %swap3A_282 = arith.constant 80 : index
        %swap3A_283 = tpu.vector_load %arg7[%swap3A_281, %swap3A_282] {strides = array<i32>} : memref<1x128xi32, #tpu.memory_space<vmem>>, vector<1x16xi32>,
        %swap3A_284 = vector.shape_cast %swap3A_283 : vector<1x16xi32> to vector<16xi32>
        %swap3A_285 = vector.shape_cast %select_n3A_279 : vector<16xi32> to vector<1x16xi32>
        tpu.vector_store %arg7[%swap3A_281, %swap3A_282], %swap3A_285 {strides = array<i32>} : memref<1x128xi32, #tpu.memory_space<vmem>>, vector<1x16xi32>,
        %get3A_286 = arith.constant 96 : index
        %get3A_287 = tpu.vector_load %arg6[%get3A_286] {strides = array<i32>} : memref<256xi32, #tpu.memory_space<vmem>>, vector<16xi32>,
        %get3A_288 = vector.shape_cast %get3A_287 : vector<16xi32> to vector<16xi32>
        %sub3A_289 = vector.broadcast %mul3A_71 : i32 to vector<16xi32>
        %sub3A_290 = arith.subi %get3A_288, %sub3A_289 : vector<16xi32>
        %ge3A_291 = arith.constant 0 : i32
        %ge3A_292 = vector.broadcast %ge3A_291 : i32 to vector<16xi32>
        %ge3A_293 = arith.cmpi sge, %sub3A_290, %ge3A_292 : vector<16xi32>
        %lt3A_294 = arith.constant 20224 : i32
        %lt3A_295 = vector.broadcast %lt3A_294 : i32 to vector<16xi32>
        %lt3A_296 = arith.cmpi slt, %sub3A_290, %lt3A_295 : vector<16xi32>
        %and3A_297 = arith.andi %ge3A_293, %lt3A_296 : vector<16xi1>
        %shift_right_logical3A_298 = arith.constant 1 : i32
        %shift_right_logical3A_299 = vector.broadcast %shift_right_logical3A_298 : i32 to vector<16xi32>
        %shift_right_logical3A_300 = arith.shrui %sub3A_290, %shift_right_logical3A_299 : vector<16xi32>
        %shift_right_logical3A_301 = arith.constant 1 : i32
        %shift_right_logical3A_302 = vector.broadcast %shift_right_logical3A_301 : i32 to vector<16xi32>
        %shift_right_logical3A_303 = arith.shrui %get3A_288, %shift_right_logical3A_302 : vector<16xi32>
        %and3A_304 = arith.constant 127 : i32
        %and3A_305 = vector.broadcast %and3A_304 : i32 to vector<16xi32>
        %and3A_306 = arith.andi %shift_right_logical3A_303, %and3A_305 : vector<16xi32>
        %add3A_307 = arith.constant 10112 : i32
        %add3A_308 = vector.broadcast %add3A_307 : i32 to vector<16xi32>
        %add3A_309 = arith.addi %add3A_308, %and3A_306 : vector<16xi32>
        %select_n3A_310 = arith.select %and3A_297, %shift_right_logical3A_300, %add3A_309 : vector<16xi1>, vector<16xi32>
        %swap3A_311 = arith.constant 0 : i32
        %swap3A_312 = arith.index_cast %swap3A_311 : i32 to index
        %swap3A_313 = arith.constant 96 : index
        %swap3A_314 = tpu.vector_load %arg7[%swap3A_312, %swap3A_313] {strides = array<i32>} : memref<1x128xi32, #tpu.memory_space<vmem>>, vector<1x16xi32>,
        %swap3A_315 = vector.shape_cast %swap3A_314 : vector<1x16xi32> to vector<16xi32>
        %swap3A_316 = vector.shape_cast %select_n3A_310 : vector<16xi32> to vector<1x16xi32>
        tpu.vector_store %arg7[%swap3A_312, %swap3A_313], %swap3A_316 {strides = array<i32>} : memref<1x128xi32, #tpu.memory_space<vmem>>, vector<1x16xi32>,
        %get3A_317 = arith.constant 112 : index
        %get3A_318 = tpu.vector_load %arg6[%get3A_317] {strides = array<i32>} : memref<256xi32, #tpu.memory_space<vmem>>, vector<16xi32>,
        %get3A_319 = vector.shape_cast %get3A_318 : vector<16xi32> to vector<16xi32>
        %sub3A_320 = vector.broadcast %mul3A_71 : i32 to vector<16xi32>
        %sub3A_321 = arith.subi %get3A_319, %sub3A_320 : vector<16xi32>
        %ge3A_322 = arith.constant 0 : i32
        %ge3A_323 = vector.broadcast %ge3A_322 : i32 to vector<16xi32>
        %ge3A_324 = arith.cmpi sge, %sub3A_321, %ge3A_323 : vector<16xi32>
        %lt3A_325 = arith.constant 20224 : i32
        %lt3A_326 = vector.broadcast %lt3A_325 : i32 to vector<16xi32>
        %lt3A_327 = arith.cmpi slt, %sub3A_321, %lt3A_326 : vector<16xi32>
        %and3A_328 = arith.andi %ge3A_324, %lt3A_327 : vector<16xi1>
        %shift_right_logical3A_329 = arith.constant 1 : i32
        %shift_right_logical3A_330 = vector.broadcast %shift_right_logical3A_329 : i32 to vector<16xi32>
        %shift_right_logical3A_331 = arith.shrui %sub3A_321, %shift_right_logical3A_330 : vector<16xi32>
        %shift_right_logical3A_332 = arith.constant 1 : i32
        %shift_right_logical3A_333 = vector.broadcast %shift_right_logical3A_332 : i32 to vector<16xi32>
        %shift_right_logical3A_334 = arith.shrui %get3A_319, %shift_right_logical3A_333 : vector<16xi32>
        %and3A_335 = arith.constant 127 : i32
        %and3A_336 = vector.broadcast %and3A_335 : i32 to vector<16xi32>
        %and3A_337 = arith.andi %shift_right_logical3A_334, %and3A_336 : vector<16xi32>
        %add3A_338 = arith.constant 10112 : i32
        %add3A_339 = vector.broadcast %add3A_338 : i32 to vector<16xi32>
        %add3A_340 = arith.addi %add3A_339, %and3A_337 : vector<16xi32>
        %select_n3A_341 = arith.select %and3A_328, %shift_right_logical3A_331, %add3A_340 : vector<16xi1>, vector<16xi32>
        %swap3A_342 = arith.constant 0 : i32
        %swap3A_343 = arith.index_cast %swap3A_342 : i32 to index
        %swap3A_344 = arith.constant 112 : index
        %swap3A_345 = tpu.vector_load %arg7[%swap3A_343, %swap3A_344] {strides = array<i32>} : memref<1x128xi32, #tpu.memory_space<vmem>>, vector<1x16xi32>,
        %swap3A_346 = vector.shape_cast %swap3A_345 : vector<1x16xi32> to vector<16xi32>
        %swap3A_347 = vector.shape_cast %select_n3A_341 : vector<16xi32> to vector<1x16xi32>
        tpu.vector_store %arg7[%swap3A_343, %swap3A_344], %swap3A_347 {strides = array<i32>} : memref<1x128xi32, #tpu.memory_space<vmem>>, vector<1x16xi32>,
        %gt3A_348 = arith.constant 0 : i32
        %gt3A_349 = arith.cmpi sgt, %scan3A_99, %gt3A_348 : i32
        %convert_element_type3A_350 = arith.extui %gt3A_349 : i1 to i32
        %cond3A_351 = arith.constant 0 : i32
        %cond3A_352 = arith.cmpi ne, %convert_element_type3A_350, %cond3A_351 : i32
        scf.if %cond3A_352 {
          %dma_wait3A_629 = arith.constant 0 : i32
          %dma_wait3A_630 = arith.constant 0 : i32
          %dma_wait3A_631 = tpu.memref_slice %arg8[%dma_wait3A_629, %dma_wait3A_630] : memref<1x128xi32, #tpu.memory_space<vmem>> -> memref<1x128xi32, #tpu.memory_space<vmem>>
          %dma_wait3A_632 = tpu.memref_squeeze %dma_wait3A_631 : memref<1x128xi32, #tpu.memory_space<vmem>> -> memref<128xi32, #tpu.memory_space<vmem>>
          %dma_wait3A_633 = arith.constant 0 : i32
          %dma_wait3A_634 = arith.constant 0 : i32
          %dma_wait3A_635 = tpu.memref_slice %arg12[%dma_wait3A_633, %dma_wait3A_634] : memref<10240x128xf32, #tpu.memory_space<vmem_shared>> -> memref<10240x128xf32, #tpu.memory_space<vmem_shared>>
          tpu.wait_indirect_dma semaphore(%arg16 : memref<!tpu.dma_semaphore, #tpu.memory_space<semaphore_mem>>) src(%arg10 : memref<128x128xf32, #tpu.memory_space<vmem>>) dst(%dma_wait3A_635 : memref<10240x128xf32, #tpu.memory_space<vmem_shared>>)
        } else {
        }
        %add3A_353 = arith.constant 128 : i32
        %add3A_354 = arith.addi %add3A_102, %add3A_353 : i32
        %dma_start3A_355 = arith.constant 0 : i32
        %dma_start3A_356 = tpu.memref_slice %arg3[%add3A_354, %dma_start3A_355] : memref<1376256x128xf32, #tpu.memory_space<hbm>> -> memref<128x128xf32, #tpu.memory_space<hbm>>
        %dma_start3A_357 = arith.constant 0 : i32
        %dma_start3A_358 = tpu.memref_slice %arg3[%add3A_354, %dma_start3A_357] : memref<1376256x128xf32, #tpu.memory_space<hbm>> -> memref<128x128xf32, #tpu.memory_space<hbm>>
        tpu.enqueue_dma source(%dma_start3A_358 : memref<128x128xf32, #tpu.memory_space<hbm>>) target(%arg10 : memref<128x128xf32, #tpu.memory_space<vmem>>) target_semaphore(%arg14 : memref<!tpu.dma_semaphore, #tpu.memory_space<semaphore_mem>>)
        %get3A_359 = arith.constant 128 : index
        %get3A_360 = tpu.vector_load %arg6[%get3A_359] {strides = array<i32>} : memref<256xi32, #tpu.memory_space<vmem>>, vector<16xi32>,
        %get3A_361 = vector.shape_cast %get3A_360 : vector<16xi32> to vector<16xi32>
        %sub3A_362 = vector.broadcast %mul3A_71 : i32 to vector<16xi32>
        %sub3A_363 = arith.subi %get3A_361, %sub3A_362 : vector<16xi32>
        %ge3A_364 = arith.constant 0 : i32
        %ge3A_365 = vector.broadcast %ge3A_364 : i32 to vector<16xi32>
        %ge3A_366 = arith.cmpi sge, %sub3A_363, %ge3A_365 : vector<16xi32>
        %lt3A_367 = arith.constant 20224 : i32
        %lt3A_368 = vector.broadcast %lt3A_367 : i32 to vector<16xi32>
        %lt3A_369 = arith.cmpi slt, %sub3A_363, %lt3A_368 : vector<16xi32>
        %and3A_370 = arith.andi %ge3A_366, %lt3A_369 : vector<16xi1>
        %shift_right_logical3A_371 = arith.constant 1 : i32
        %shift_right_logical3A_372 = vector.broadcast %shift_right_logical3A_371 : i32 to vector<16xi32>
        %shift_right_logical3A_373 = arith.shrui %sub3A_363, %shift_right_logical3A_372 : vector<16xi32>
        %shift_right_logical3A_374 = arith.constant 1 : i32
        %shift_right_logical3A_375 = vector.broadcast %shift_right_logical3A_374 : i32 to vector<16xi32>
        %shift_right_logical3A_376 = arith.shrui %get3A_361, %shift_right_logical3A_375 : vector<16xi32>
        %and3A_377 = arith.constant 127 : i32
        %and3A_378 = vector.broadcast %and3A_377 : i32 to vector<16xi32>
        %and3A_379 = arith.andi %shift_right_logical3A_376, %and3A_378 : vector<16xi32>
        %add3A_380 = arith.constant 10112 : i32
        %add3A_381 = vector.broadcast %add3A_380 : i32 to vector<16xi32>
        %add3A_382 = arith.addi %add3A_381, %and3A_379 : vector<16xi32>
        %select_n3A_383 = arith.select %and3A_370, %shift_right_logical3A_373, %add3A_382 : vector<16xi1>, vector<16xi32>
        %swap3A_384 = arith.constant 0 : i32
        %swap3A_385 = arith.index_cast %swap3A_384 : i32 to index
        %swap3A_386 = arith.constant 0 : index
        %swap3A_387 = tpu.vector_load %arg8[%swap3A_385, %swap3A_386] {strides = array<i32>} : memref<1x128xi32, #tpu.memory_space<vmem>>, vector<1x16xi32>,
        %swap3A_388 = vector.shape_cast %swap3A_387 : vector<1x16xi32> to vector<16xi32>
        %swap3A_389 = vector.shape_cast %select_n3A_383 : vector<16xi32> to vector<1x16xi32>
        tpu.vector_store %arg8[%swap3A_385, %swap3A_386], %swap3A_389 {strides = array<i32>} : memref<1x128xi32, #tpu.memory_space<vmem>>, vector<1x16xi32>,
        %get3A_390 = arith.constant 144 : index
        %get3A_391 = tpu.vector_load %arg6[%get3A_390] {strides = array<i32>} : memref<256xi32, #tpu.memory_space<vmem>>, vector<16xi32>,
        %get3A_392 = vector.shape_cast %get3A_391 : vector<16xi32> to vector<16xi32>
        %sub3A_393 = vector.broadcast %mul3A_71 : i32 to vector<16xi32>
        %sub3A_394 = arith.subi %get3A_392, %sub3A_393 : vector<16xi32>
        %ge3A_395 = arith.constant 0 : i32
        %ge3A_396 = vector.broadcast %ge3A_395 : i32 to vector<16xi32>
        %ge3A_397 = arith.cmpi sge, %sub3A_394, %ge3A_396 : vector<16xi32>
        %lt3A_398 = arith.constant 20224 : i32
        %lt3A_399 = vector.broadcast %lt3A_398 : i32 to vector<16xi32>
        %lt3A_400 = arith.cmpi slt, %sub3A_394, %lt3A_399 : vector<16xi32>
        %and3A_401 = arith.andi %ge3A_397, %lt3A_400 : vector<16xi1>
        %shift_right_logical3A_402 = arith.constant 1 : i32
        %shift_right_logical3A_403 = vector.broadcast %shift_right_logical3A_402 : i32 to vector<16xi32>
        %shift_right_logical3A_404 = arith.shrui %sub3A_394, %shift_right_logical3A_403 : vector<16xi32>
        %shift_right_logical3A_405 = arith.constant 1 : i32
        %shift_right_logical3A_406 = vector.broadcast %shift_right_logical3A_405 : i32 to vector<16xi32>
        %shift_right_logical3A_407 = arith.shrui %get3A_392, %shift_right_logical3A_406 : vector<16xi32>
        %and3A_408 = arith.constant 127 : i32
        %and3A_409 = vector.broadcast %and3A_408 : i32 to vector<16xi32>
        %and3A_410 = arith.andi %shift_right_logical3A_407, %and3A_409 : vector<16xi32>
        %add3A_411 = arith.constant 10112 : i32
        %add3A_412 = vector.broadcast %add3A_411 : i32 to vector<16xi32>
        %add3A_413 = arith.addi %add3A_412, %and3A_410 : vector<16xi32>
        %select_n3A_414 = arith.select %and3A_401, %shift_right_logical3A_404, %add3A_413 : vector<16xi1>, vector<16xi32>
        %swap3A_415 = arith.constant 0 : i32
        %swap3A_416 = arith.index_cast %swap3A_415 : i32 to index
        %swap3A_417 = arith.constant 16 : index
        %swap3A_418 = tpu.vector_load %arg8[%swap3A_416, %swap3A_417] {strides = array<i32>} : memref<1x128xi32, #tpu.memory_space<vmem>>, vector<1x16xi32>,
        %swap3A_419 = vector.shape_cast %swap3A_418 : vector<1x16xi32> to vector<16xi32>
        %swap3A_420 = vector.shape_cast %select_n3A_414 : vector<16xi32> to vector<1x16xi32>
        tpu.vector_store %arg8[%swap3A_416, %swap3A_417], %swap3A_420 {strides = array<i32>} : memref<1x128xi32, #tpu.memory_space<vmem>>, vector<1x16xi32>,
        %get3A_421 = arith.constant 160 : index
        %get3A_422 = tpu.vector_load %arg6[%get3A_421] {strides = array<i32>} : memref<256xi32, #tpu.memory_space<vmem>>, vector<16xi32>,
        %get3A_423 = vector.shape_cast %get3A_422 : vector<16xi32> to vector<16xi32>
        %sub3A_424 = vector.broadcast %mul3A_71 : i32 to vector<16xi32>
        %sub3A_425 = arith.subi %get3A_423, %sub3A_424 : vector<16xi32>
        %ge3A_426 = arith.constant 0 : i32
        %ge3A_427 = vector.broadcast %ge3A_426 : i32 to vector<16xi32>
        %ge3A_428 = arith.cmpi sge, %sub3A_425, %ge3A_427 : vector<16xi32>
        %lt3A_429 = arith.constant 20224 : i32
        %lt3A_430 = vector.broadcast %lt3A_429 : i32 to vector<16xi32>
        %lt3A_431 = arith.cmpi slt, %sub3A_425, %lt3A_430 : vector<16xi32>
        %and3A_432 = arith.andi %ge3A_428, %lt3A_431 : vector<16xi1>
        %shift_right_logical3A_433 = arith.constant 1 : i32
        %shift_right_logical3A_434 = vector.broadcast %shift_right_logical3A_433 : i32 to vector<16xi32>
        %shift_right_logical3A_435 = arith.shrui %sub3A_425, %shift_right_logical3A_434 : vector<16xi32>
        %shift_right_logical3A_436 = arith.constant 1 : i32
        %shift_right_logical3A_437 = vector.broadcast %shift_right_logical3A_436 : i32 to vector<16xi32>
        %shift_right_logical3A_438 = arith.shrui %get3A_423, %shift_right_logical3A_437 : vector<16xi32>
        %and3A_439 = arith.constant 127 : i32
        %and3A_440 = vector.broadcast %and3A_439 : i32 to vector<16xi32>
        %and3A_441 = arith.andi %shift_right_logical3A_438, %and3A_440 : vector<16xi32>
        %add3A_442 = arith.constant 10112 : i32
        %add3A_443 = vector.broadcast %add3A_442 : i32 to vector<16xi32>
        %add3A_444 = arith.addi %add3A_443, %and3A_441 : vector<16xi32>
        %select_n3A_445 = arith.select %and3A_432, %shift_right_logical3A_435, %add3A_444 : vector<16xi1>, vector<16xi32>
        %swap3A_446 = arith.constant 0 : i32
        %swap3A_447 = arith.index_cast %swap3A_446 : i32 to index
        %swap3A_448 = arith.constant 32 : index
        %swap3A_449 = tpu.vector_load %arg8[%swap3A_447, %swap3A_448] {strides = array<i32>} : memref<1x128xi32, #tpu.memory_space<vmem>>, vector<1x16xi32>,
        %swap3A_450 = vector.shape_cast %swap3A_449 : vector<1x16xi32> to vector<16xi32>
        %swap3A_451 = vector.shape_cast %select_n3A_445 : vector<16xi32> to vector<1x16xi32>
        tpu.vector_store %arg8[%swap3A_447, %swap3A_448], %swap3A_451 {strides = array<i32>} : memref<1x128xi32, #tpu.memory_space<vmem>>, vector<1x16xi32>,
        %get3A_452 = arith.constant 176 : index
        %get3A_453 = tpu.vector_load %arg6[%get3A_452] {strides = array<i32>} : memref<256xi32, #tpu.memory_space<vmem>>, vector<16xi32>,
        %get3A_454 = vector.shape_cast %get3A_453 : vector<16xi32> to vector<16xi32>
        %sub3A_455 = vector.broadcast %mul3A_71 : i32 to vector<16xi32>
        %sub3A_456 = arith.subi %get3A_454, %sub3A_455 : vector<16xi32>
        %ge3A_457 = arith.constant 0 : i32
        %ge3A_458 = vector.broadcast %ge3A_457 : i32 to vector<16xi32>
        %ge3A_459 = arith.cmpi sge, %sub3A_456, %ge3A_458 : vector<16xi32>
        %lt3A_460 = arith.constant 20224 : i32
        %lt3A_461 = vector.broadcast %lt3A_460 : i32 to vector<16xi32>
        %lt3A_462 = arith.cmpi slt, %sub3A_456, %lt3A_461 : vector<16xi32>
        %and3A_463 = arith.andi %ge3A_459, %lt3A_462 : vector<16xi1>
        %shift_right_logical3A_464 = arith.constant 1 : i32
        %shift_right_logical3A_465 = vector.broadcast %shift_right_logical3A_464 : i32 to vector<16xi32>
        %shift_right_logical3A_466 = arith.shrui %sub3A_456, %shift_right_logical3A_465 : vector<16xi32>
        %shift_right_logical3A_467 = arith.constant 1 : i32
        %shift_right_logical3A_468 = vector.broadcast %shift_right_logical3A_467 : i32 to vector<16xi32>
        %shift_right_logical3A_469 = arith.shrui %get3A_454, %shift_right_logical3A_468 : vector<16xi32>
        %and3A_470 = arith.constant 127 : i32
        %and3A_471 = vector.broadcast %and3A_470 : i32 to vector<16xi32>
        %and3A_472 = arith.andi %shift_right_logical3A_469, %and3A_471 : vector<16xi32>
        %add3A_473 = arith.constant 10112 : i32
        %add3A_474 = vector.broadcast %add3A_473 : i32 to vector<16xi32>
        %add3A_475 = arith.addi %add3A_474, %and3A_472 : vector<16xi32>
        %select_n3A_476 = arith.select %and3A_463, %shift_right_logical3A_466, %add3A_475 : vector<16xi1>, vector<16xi32>
        %swap3A_477 = arith.constant 0 : i32
        %swap3A_478 = arith.index_cast %swap3A_477 : i32 to index
        %swap3A_479 = arith.constant 48 : index
        %swap3A_480 = tpu.vector_load %arg8[%swap3A_478, %swap3A_479] {strides = array<i32>} : memref<1x128xi32, #tpu.memory_space<vmem>>, vector<1x16xi32>,
        %swap3A_481 = vector.shape_cast %swap3A_480 : vector<1x16xi32> to vector<16xi32>
        %swap3A_482 = vector.shape_cast %select_n3A_476 : vector<16xi32> to vector<1x16xi32>
        tpu.vector_store %arg8[%swap3A_478, %swap3A_479], %swap3A_482 {strides = array<i32>} : memref<1x128xi32, #tpu.memory_space<vmem>>, vector<1x16xi32>,
        %get3A_483 = arith.constant 192 : index
        %get3A_484 = tpu.vector_load %arg6[%get3A_483] {strides = array<i32>} : memref<256xi32, #tpu.memory_space<vmem>>, vector<16xi32>,
        %get3A_485 = vector.shape_cast %get3A_484 : vector<16xi32> to vector<16xi32>
        %sub3A_486 = vector.broadcast %mul3A_71 : i32 to vector<16xi32>
        %sub3A_487 = arith.subi %get3A_485, %sub3A_486 : vector<16xi32>
        %ge3A_488 = arith.constant 0 : i32
        %ge3A_489 = vector.broadcast %ge3A_488 : i32 to vector<16xi32>
        %ge3A_490 = arith.cmpi sge, %sub3A_487, %ge3A_489 : vector<16xi32>
        %lt3A_491 = arith.constant 20224 : i32
        %lt3A_492 = vector.broadcast %lt3A_491 : i32 to vector<16xi32>
        %lt3A_493 = arith.cmpi slt, %sub3A_487, %lt3A_492 : vector<16xi32>
        %and3A_494 = arith.andi %ge3A_490, %lt3A_493 : vector<16xi1>
        %shift_right_logical3A_495 = arith.constant 1 : i32
        %shift_right_logical3A_496 = vector.broadcast %shift_right_logical3A_495 : i32 to vector<16xi32>
        %shift_right_logical3A_497 = arith.shrui %sub3A_487, %shift_right_logical3A_496 : vector<16xi32>
        %shift_right_logical3A_498 = arith.constant 1 : i32
        %shift_right_logical3A_499 = vector.broadcast %shift_right_logical3A_498 : i32 to vector<16xi32>
        %shift_right_logical3A_500 = arith.shrui %get3A_485, %shift_right_logical3A_499 : vector<16xi32>
        %and3A_501 = arith.constant 127 : i32
        %and3A_502 = vector.broadcast %and3A_501 : i32 to vector<16xi32>
        %and3A_503 = arith.andi %shift_right_logical3A_500, %and3A_502 : vector<16xi32>
        %add3A_504 = arith.constant 10112 : i32
        %add3A_505 = vector.broadcast %add3A_504 : i32 to vector<16xi32>
        %add3A_506 = arith.addi %add3A_505, %and3A_503 : vector<16xi32>
        %select_n3A_507 = arith.select %and3A_494, %shift_right_logical3A_497, %add3A_506 : vector<16xi1>, vector<16xi32>
        %swap3A_508 = arith.constant 0 : i32
        %swap3A_509 = arith.index_cast %swap3A_508 : i32 to index
        %swap3A_510 = arith.constant 64 : index
        %swap3A_511 = tpu.vector_load %arg8[%swap3A_509, %swap3A_510] {strides = array<i32>} : memref<1x128xi32, #tpu.memory_space<vmem>>, vector<1x16xi32>,
        %swap3A_512 = vector.shape_cast %swap3A_511 : vector<1x16xi32> to vector<16xi32>
        %swap3A_513 = vector.shape_cast %select_n3A_507 : vector<16xi32> to vector<1x16xi32>
        tpu.vector_store %arg8[%swap3A_509, %swap3A_510], %swap3A_513 {strides = array<i32>} : memref<1x128xi32, #tpu.memory_space<vmem>>, vector<1x16xi32>,
        %get3A_514 = arith.constant 208 : index
        %get3A_515 = tpu.vector_load %arg6[%get3A_514] {strides = array<i32>} : memref<256xi32, #tpu.memory_space<vmem>>, vector<16xi32>,
        %get3A_516 = vector.shape_cast %get3A_515 : vector<16xi32> to vector<16xi32>
        %sub3A_517 = vector.broadcast %mul3A_71 : i32 to vector<16xi32>
        %sub3A_518 = arith.subi %get3A_516, %sub3A_517 : vector<16xi32>
        %ge3A_519 = arith.constant 0 : i32
        %ge3A_520 = vector.broadcast %ge3A_519 : i32 to vector<16xi32>
        %ge3A_521 = arith.cmpi sge, %sub3A_518, %ge3A_520 : vector<16xi32>
        %lt3A_522 = arith.constant 20224 : i32
        %lt3A_523 = vector.broadcast %lt3A_522 : i32 to vector<16xi32>
        %lt3A_524 = arith.cmpi slt, %sub3A_518, %lt3A_523 : vector<16xi32>
        %and3A_525 = arith.andi %ge3A_521, %lt3A_524 : vector<16xi1>
        %shift_right_logical3A_526 = arith.constant 1 : i32
        %shift_right_logical3A_527 = vector.broadcast %shift_right_logical3A_526 : i32 to vector<16xi32>
        %shift_right_logical3A_528 = arith.shrui %sub3A_518, %shift_right_logical3A_527 : vector<16xi32>
        %shift_right_logical3A_529 = arith.constant 1 : i32
        %shift_right_logical3A_530 = vector.broadcast %shift_right_logical3A_529 : i32 to vector<16xi32>
        %shift_right_logical3A_531 = arith.shrui %get3A_516, %shift_right_logical3A_530 : vector<16xi32>
        %and3A_532 = arith.constant 127 : i32
        %and3A_533 = vector.broadcast %and3A_532 : i32 to vector<16xi32>
        %and3A_534 = arith.andi %shift_right_logical3A_531, %and3A_533 : vector<16xi32>
        %add3A_535 = arith.constant 10112 : i32
        %add3A_536 = vector.broadcast %add3A_535 : i32 to vector<16xi32>
        %add3A_537 = arith.addi %add3A_536, %and3A_534 : vector<16xi32>
        %select_n3A_538 = arith.select %and3A_525, %shift_right_logical3A_528, %add3A_537 : vector<16xi1>, vector<16xi32>
        %swap3A_539 = arith.constant 0 : i32
        %swap3A_540 = arith.index_cast %swap3A_539 : i32 to index
        %swap3A_541 = arith.constant 80 : index
        %swap3A_542 = tpu.vector_load %arg8[%swap3A_540, %swap3A_541] {strides = array<i32>} : memref<1x128xi32, #tpu.memory_space<vmem>>, vector<1x16xi32>,
        %swap3A_543 = vector.shape_cast %swap3A_542 : vector<1x16xi32> to vector<16xi32>
        %swap3A_544 = vector.shape_cast %select_n3A_538 : vector<16xi32> to vector<1x16xi32>
        tpu.vector_store %arg8[%swap3A_540, %swap3A_541], %swap3A_544 {strides = array<i32>} : memref<1x128xi32, #tpu.memory_space<vmem>>, vector<1x16xi32>,
        %get3A_545 = arith.constant 224 : index
        %get3A_546 = tpu.vector_load %arg6[%get3A_545] {strides = array<i32>} : memref<256xi32, #tpu.memory_space<vmem>>, vector<16xi32>,
        %get3A_547 = vector.shape_cast %get3A_546 : vector<16xi32> to vector<16xi32>
        %sub3A_548 = vector.broadcast %mul3A_71 : i32 to vector<16xi32>
        %sub3A_549 = arith.subi %get3A_547, %sub3A_548 : vector<16xi32>
        %ge3A_550 = arith.constant 0 : i32
        %ge3A_551 = vector.broadcast %ge3A_550 : i32 to vector<16xi32>
        %ge3A_552 = arith.cmpi sge, %sub3A_549, %ge3A_551 : vector<16xi32>
        %lt3A_553 = arith.constant 20224 : i32
        %lt3A_554 = vector.broadcast %lt3A_553 : i32 to vector<16xi32>
        %lt3A_555 = arith.cmpi slt, %sub3A_549, %lt3A_554 : vector<16xi32>
        %and3A_556 = arith.andi %ge3A_552, %lt3A_555 : vector<16xi1>
        %shift_right_logical3A_557 = arith.constant 1 : i32
        %shift_right_logical3A_558 = vector.broadcast %shift_right_logical3A_557 : i32 to vector<16xi32>
        %shift_right_logical3A_559 = arith.shrui %sub3A_549, %shift_right_logical3A_558 : vector<16xi32>
        %shift_right_logical3A_560 = arith.constant 1 : i32
        %shift_right_logical3A_561 = vector.broadcast %shift_right_logical3A_560 : i32 to vector<16xi32>
        %shift_right_logical3A_562 = arith.shrui %get3A_547, %shift_right_logical3A_561 : vector<16xi32>
        %and3A_563 = arith.constant 127 : i32
        %and3A_564 = vector.broadcast %and3A_563 : i32 to vector<16xi32>
        %and3A_565 = arith.andi %shift_right_logical3A_562, %and3A_564 : vector<16xi32>
        %add3A_566 = arith.constant 10112 : i32
        %add3A_567 = vector.broadcast %add3A_566 : i32 to vector<16xi32>
        %add3A_568 = arith.addi %add3A_567, %and3A_565 : vector<16xi32>
        %select_n3A_569 = arith.select %and3A_556, %shift_right_logical3A_559, %add3A_568 : vector<16xi1>, vector<16xi32>
        %swap3A_570 = arith.constant 0 : i32
        %swap3A_571 = arith.index_cast %swap3A_570 : i32 to index
        %swap3A_572 = arith.constant 96 : index
        %swap3A_573 = tpu.vector_load %arg8[%swap3A_571, %swap3A_572] {strides = array<i32>} : memref<1x128xi32, #tpu.memory_space<vmem>>, vector<1x16xi32>,
        %swap3A_574 = vector.shape_cast %swap3A_573 : vector<1x16xi32> to vector<16xi32>
        %swap3A_575 = vector.shape_cast %select_n3A_569 : vector<16xi32> to vector<1x16xi32>
        tpu.vector_store %arg8[%swap3A_571, %swap3A_572], %swap3A_575 {strides = array<i32>} : memref<1x128xi32, #tpu.memory_space<vmem>>, vector<1x16xi32>,
        %get3A_576 = arith.constant 240 : index
        %get3A_577 = tpu.vector_load %arg6[%get3A_576] {strides = array<i32>} : memref<256xi32, #tpu.memory_space<vmem>>, vector<16xi32>,
        %get3A_578 = vector.shape_cast %get3A_577 : vector<16xi32> to vector<16xi32>
        %sub3A_579 = vector.broadcast %mul3A_71 : i32 to vector<16xi32>
        %sub3A_580 = arith.subi %get3A_578, %sub3A_579 : vector<16xi32>
        %ge3A_581 = arith.constant 0 : i32
        %ge3A_582 = vector.broadcast %ge3A_581 : i32 to vector<16xi32>
        %ge3A_583 = arith.cmpi sge, %sub3A_580, %ge3A_582 : vector<16xi32>
        %lt3A_584 = arith.constant 20224 : i32
        %lt3A_585 = vector.broadcast %lt3A_584 : i32 to vector<16xi32>
        %lt3A_586 = arith.cmpi slt, %sub3A_580, %lt3A_585 : vector<16xi32>
        %and3A_587 = arith.andi %ge3A_583, %lt3A_586 : vector<16xi1>
        %shift_right_logical3A_588 = arith.constant 1 : i32
        %shift_right_logical3A_589 = vector.broadcast %shift_right_logical3A_588 : i32 to vector<16xi32>
        %shift_right_logical3A_590 = arith.shrui %sub3A_580, %shift_right_logical3A_589 : vector<16xi32>
        %shift_right_logical3A_591 = arith.constant 1 : i32
        %shift_right_logical3A_592 = vector.broadcast %shift_right_logical3A_591 : i32 to vector<16xi32>
        %shift_right_logical3A_593 = arith.shrui %get3A_578, %shift_right_logical3A_592 : vector<16xi32>
        %and3A_594 = arith.constant 127 : i32
        %and3A_595 = vector.broadcast %and3A_594 : i32 to vector<16xi32>
        %and3A_596 = arith.andi %shift_right_logical3A_593, %and3A_595 : vector<16xi32>
        %add3A_597 = arith.constant 10112 : i32
        %add3A_598 = vector.broadcast %add3A_597 : i32 to vector<16xi32>
        %add3A_599 = arith.addi %add3A_598, %and3A_596 : vector<16xi32>
        %select_n3A_600 = arith.select %and3A_587, %shift_right_logical3A_590, %add3A_599 : vector<16xi1>, vector<16xi32>
        %swap3A_601 = arith.constant 0 : i32
        %swap3A_602 = arith.index_cast %swap3A_601 : i32 to index
        %swap3A_603 = arith.constant 112 : index
        %swap3A_604 = tpu.vector_load %arg8[%swap3A_602, %swap3A_603] {strides = array<i32>} : memref<1x128xi32, #tpu.memory_space<vmem>>, vector<1x16xi32>,
        %swap3A_605 = vector.shape_cast %swap3A_604 : vector<1x16xi32> to vector<16xi32>
        %swap3A_606 = vector.shape_cast %select_n3A_600 : vector<16xi32> to vector<1x16xi32>
        tpu.vector_store %arg8[%swap3A_602, %swap3A_603], %swap3A_606 {strides = array<i32>} : memref<1x128xi32, #tpu.memory_space<vmem>>, vector<1x16xi32>,
        %dma_wait3A_607 = arith.constant 0 : i32
        %dma_wait3A_608 = tpu.memref_slice %arg3[%add3A_102, %dma_wait3A_607] : memref<1376256x128xf32, #tpu.memory_space<hbm>> -> memref<128x128xf32, #tpu.memory_space<hbm>>
        %dma_wait3A_609 = arith.constant 0 : i32
        %dma_wait3A_610 = tpu.memref_slice %arg3[%add3A_102, %dma_wait3A_609] : memref<1376256x128xf32, #tpu.memory_space<hbm>> -> memref<128x128xf32, #tpu.memory_space<hbm>>
        tpu.wait_dma2 semaphore(%arg13 : memref<!tpu.dma_semaphore, #tpu.memory_space<semaphore_mem>>) src(%dma_wait3A_610 : memref<128x128xf32, #tpu.memory_space<hbm>>) dst(%arg9 : memref<128x128xf32, #tpu.memory_space<vmem>>)
        %dma_start3A_611 = arith.constant 0 : i32
        %dma_start3A_612 = arith.constant 0 : i32
        %dma_start3A_613 = tpu.memref_slice %arg7[%dma_start3A_611, %dma_start3A_612] : memref<1x128xi32, #tpu.memory_space<vmem>> -> memref<1x128xi32, #tpu.memory_space<vmem>>
        %dma_start3A_614 = tpu.memref_squeeze %dma_start3A_613 : memref<1x128xi32, #tpu.memory_space<vmem>> -> memref<128xi32, #tpu.memory_space<vmem>>
        %dma_start3A_615 = arith.constant 0 : i32
        %dma_start3A_616 = arith.constant 0 : i32
        %dma_start3A_617 = tpu.memref_slice %arg12[%dma_start3A_615, %dma_start3A_616] : memref<10240x128xf32, #tpu.memory_space<vmem_shared>> -> memref<10240x128xf32, #tpu.memory_space<vmem_shared>>
        tpu.enqueue_indirect_dma source(%arg9 : memref<128x128xf32, #tpu.memory_space<vmem>>) target(%dma_start3A_617 : memref<10240x128xf32, #tpu.memory_space<vmem_shared>>) offsets(%dma_start3A_614 : memref<128xi32, #tpu.memory_space<vmem>>) semaphore(%arg15 : memref<!tpu.dma_semaphore, #tpu.memory_space<semaphore_mem>>) {add = true}
        %dma_wait3A_618 = arith.constant 0 : i32
        %dma_wait3A_619 = tpu.memref_slice %arg3[%add3A_354, %dma_wait3A_618] : memref<1376256x128xf32, #tpu.memory_space<hbm>> -> memref<128x128xf32, #tpu.memory_space<hbm>>
        %dma_wait3A_620 = arith.constant 0 : i32
        %dma_wait3A_621 = tpu.memref_slice %arg3[%add3A_354, %dma_wait3A_620] : memref<1376256x128xf32, #tpu.memory_space<hbm>> -> memref<128x128xf32, #tpu.memory_space<hbm>>
        tpu.wait_dma2 semaphore(%arg14 : memref<!tpu.dma_semaphore, #tpu.memory_space<semaphore_mem>>) src(%dma_wait3A_621 : memref<128x128xf32, #tpu.memory_space<hbm>>) dst(%arg10 : memref<128x128xf32, #tpu.memory_space<vmem>>)
        %dma_start3A_622 = arith.constant 0 : i32
        %dma_start3A_623 = arith.constant 0 : i32
        %dma_start3A_624 = tpu.memref_slice %arg8[%dma_start3A_622, %dma_start3A_623] : memref<1x128xi32, #tpu.memory_space<vmem>> -> memref<1x128xi32, #tpu.memory_space<vmem>>
        %dma_start3A_625 = tpu.memref_squeeze %dma_start3A_624 : memref<1x128xi32, #tpu.memory_space<vmem>> -> memref<128xi32, #tpu.memory_space<vmem>>
        %dma_start3A_626 = arith.constant 0 : i32
        %dma_start3A_627 = arith.constant 0 : i32
        %dma_start3A_628 = tpu.memref_slice %arg12[%dma_start3A_626, %dma_start3A_627] : memref<10240x128xf32, #tpu.memory_space<vmem_shared>> -> memref<10240x128xf32, #tpu.memory_space<vmem_shared>>
        tpu.enqueue_indirect_dma source(%arg10 : memref<128x128xf32, #tpu.memory_space<vmem>>) target(%dma_start3A_628 : memref<10240x128xf32, #tpu.memory_space<vmem_shared>>) offsets(%dma_start3A_625 : memref<128xi32, #tpu.memory_space<vmem>>) semaphore(%arg16 : memref<!tpu.dma_semaphore, #tpu.memory_space<semaphore_mem>>) {add = true}
      }
      %scan3A_77 = arith.constant 168 : i32
      %dma_wait3A = arith.constant 0 : i32
      %dma_wait3A_78 = arith.constant 0 : i32
      %dma_wait3A_79 = tpu.memref_slice %arg7[%dma_wait3A, %dma_wait3A_78] : memref<1x128xi32, #tpu.memory_space<vmem>> -> memref<1x128xi32, #tpu.memory_space<vmem>>
      %dma_wait3A_80 = tpu.memref_squeeze %dma_wait3A_79 : memref<1x128xi32, #tpu.memory_space<vmem>> -> memref<128xi32, #tpu.memory_space<vmem>>
      %dma_wait3A_81 = arith.constant 0 : i32
      %dma_wait3A_82 = arith.constant 0 : i32
      %dma_wait3A_83 = tpu.memref_slice %arg12[%dma_wait3A_81, %dma_wait3A_82] : memref<10240x128xf32, #tpu.memory_space<vmem_shared>> -> memref<10240x128xf32, #tpu.memory_space<vmem_shared>>
      tpu.wait_indirect_dma semaphore(%arg15 : memref<!tpu.dma_semaphore, #tpu.memory_space<semaphore_mem>>) src(%arg9 : memref<128x128xf32, #tpu.memory_space<vmem>>) dst(%dma_wait3A_83 : memref<10240x128xf32, #tpu.memory_space<vmem_shared>>)
      %dma_wait3A_84 = arith.constant 0 : i32
      %dma_wait3A_85 = arith.constant 0 : i32
      %dma_wait3A_86 = tpu.memref_slice %arg8[%dma_wait3A_84, %dma_wait3A_85] : memref<1x128xi32, #tpu.memory_space<vmem>> -> memref<1x128xi32, #tpu.memory_space<vmem>>
      %dma_wait3A_87 = tpu.memref_squeeze %dma_wait3A_86 : memref<1x128xi32, #tpu.memory_space<vmem>> -> memref<128xi32, #tpu.memory_space<vmem>>
      %dma_wait3A_88 = arith.constant 0 : i32
      %dma_wait3A_89 = arith.constant 0 : i32
      %dma_wait3A_90 = tpu.memref_slice %arg12[%dma_wait3A_88, %dma_wait3A_89] : memref<10240x128xf32, #tpu.memory_space<vmem_shared>> -> memref<10240x128xf32, #tpu.memory_space<vmem_shared>>
      tpu.wait_indirect_dma semaphore(%arg16 : memref<!tpu.dma_semaphore, #tpu.memory_space<semaphore_mem>>) src(%arg10 : memref<128x128xf32, #tpu.memory_space<vmem>>) dst(%dma_wait3A_90 : memref<10240x128xf32, #tpu.memory_space<vmem_shared>>)
      %barrier3A_91 = arith.constant 0 : index
      tpu.barrier barrier_id(%barrier3A_91)
      %mul3A_92 = arith.constant 632 : i32
      %mul3A_93 = arith.muli %arg1, %mul3A_92 : i32
      %mul3A_94 = arith.constant 10112 : i32
      %mul3A_95 = arith.muli %scan3A_8, %mul3A_94 : i32
      %mul3A_96 = arith.constant 632 : i32
      %mul3A_97 = arith.muli %arg1, %mul3A_96 : i32
      %add3A_98 = arith.addi %mul3A_95, %mul3A_97 : i32
      "tpu.region"() ({
        %run_scoped3A = tpu.sem_alloc : memref<!tpu.dma_semaphore, #tpu.memory_space<semaphore_mem>>
        %dma_start3A = arith.constant 0 : i32
        %dma_start3A_99 = tpu.memref_slice %arg5[%arg0, %add3A_98, %dma_start3A] : memref<2x50560x128xf32, #tpu.memory_space<hbm>> -> memref<1x632x128xf32, #tpu.memory_space<hbm>>
        %dma_start3A_100 = tpu.memref_squeeze %dma_start3A_99 : memref<1x632x128xf32, #tpu.memory_space<hbm>> -> memref<632x128xf32, #tpu.memory_space<hbm>>
        %dma_start3A_101 = arith.constant 0 : i32
        %dma_start3A_102 = tpu.memref_slice %arg12[%mul3A_93, %dma_start3A_101] : memref<10240x128xf32, #tpu.memory_space<vmem_shared>> -> memref<632x128xf32, #tpu.memory_space<vmem_shared>>
        tpu.enqueue_dma source(%dma_start3A_102 : memref<632x128xf32, #tpu.memory_space<vmem_shared>>) target(%dma_start3A_100 : memref<632x128xf32, #tpu.memory_space<hbm>>) target_semaphore(%run_scoped3A : memref<!tpu.dma_semaphore, #tpu.memory_space<semaphore_mem>>)
        %dma_wait3A_103 = arith.constant 0 : i32
        %dma_wait3A_104 = tpu.memref_slice %arg5[%arg0, %add3A_98, %dma_wait3A_103] : memref<2x50560x128xf32, #tpu.memory_space<hbm>> -> memref<1x632x128xf32, #tpu.memory_space<hbm>>
        %dma_wait3A_105 = tpu.memref_squeeze %dma_wait3A_104 : memref<1x632x128xf32, #tpu.memory_space<hbm>> -> memref<632x128xf32, #tpu.memory_space<hbm>>
        %dma_wait3A_106 = arith.constant 0 : i32
        %dma_wait3A_107 = tpu.memref_slice %arg12[%mul3A_93, %dma_wait3A_106] : memref<10240x128xf32, #tpu.memory_space<vmem_shared>> -> memref<632x128xf32, #tpu.memory_space<vmem_shared>>
        tpu.wait_dma2 semaphore(%run_scoped3A : memref<!tpu.dma_semaphore, #tpu.memory_space<semaphore_mem>>) src(%dma_wait3A_107 : memref<632x128xf32, #tpu.memory_space<vmem_shared>>) dst(%dma_wait3A_105 : memref<632x128xf32, #tpu.memory_space<hbm>>)
        tpu.yield
      }) : () -> ()
    }
    %scan3A_7 = arith.constant 5 : i32
    return
  }
}

#map = affine_map<(d0, d1) -> (0, 0)>
#map1 = affine_map<(d0, d1) -> (0)>
module attributes {stable_mosaic.version = 14 : i64} {
  func.func @_sc_gather(%arg0: i32, %arg1: i32, %arg2: memref<200000x128xf32, #tpu.memory_space<hbm>>, %arg3: memref<1376256xi32, #tpu.memory_space<hbm>>, %arg4: memref<1376256x128xf32, #tpu.memory_space<hbm>>, %arg5: memref<384xi32, #tpu.memory_space<vmem>>, %arg6: memref<384xi32, #tpu.memory_space<vmem>>, %arg7: memref<384x128xf32, #tpu.memory_space<vmem>>, %arg8: memref<384x128xf32, #tpu.memory_space<vmem>>, %arg9: memref<!tpu.dma_semaphore, #tpu.memory_space<semaphore_mem>>, %arg10: memref<!tpu.dma_semaphore, #tpu.memory_space<semaphore_mem>>, %arg11: memref<!tpu.dma_semaphore, #tpu.memory_space<semaphore_mem>>, %arg12: memref<!tpu.dma_semaphore, #tpu.memory_space<semaphore_mem>>) attributes {dimension_semantics = [#tpu.dimension_semantics<core_parallel>, #tpu.dimension_semantics<subcore_parallel>], iteration_bounds = array<i64: 2, 16>, scalar_prefetch = 0 : i64, scratch_operands = 8 : i64, tpu.core_type = #tpu.core_type<sc_vector_subcore>, window_params = [{transform_indices = #map}, {transform_indices = #map1}, {transform_indices = #map}]} {
    %mul3A = arith.constant 16 : i32
    %mul3A_0 = arith.muli %arg0, %mul3A : i32
    %add3A = arith.addi %mul3A_0, %arg1 : i32
    %mul3A_1 = arith.constant 43008 : i32
    %mul3A_2 = arith.muli %add3A, %mul3A_1 : i32
    %scan3A = arith.constant 0 : i32
    %scan3A_3 = arith.constant 0 : i32
    %scan3A_4 = arith.constant 56 : i32
    %scan3A_5 = arith.addi %scan3A_3, %scan3A_4 : i32
    %scan3A_6 = arith.constant 1 : i32
    scf.for %scan3A_19 = %scan3A_3 to %scan3A_5 step %scan3A_6  : i32 {
      %mul3A_20 = arith.constant 2 : i32
      %mul3A_21 = arith.muli %mul3A_20, %scan3A_19 : i32
      %mul3A_22 = arith.constant 384 : i32
      %mul3A_23 = arith.muli %mul3A_21, %mul3A_22 : i32
      %add3A_24 = arith.addi %mul3A_2, %mul3A_23 : i32
      %add3A_25 = arith.constant 384 : i32
      %add3A_26 = arith.addi %add3A_24, %add3A_25 : i32
      "tpu.region"() ({
        %run_scoped3A = tpu.sem_alloc : memref<!tpu.dma_semaphore, #tpu.memory_space<semaphore_mem>>
        %dma_start3A_137 = tpu.memref_slice %arg3[%add3A_24] : memref<1376256xi32, #tpu.memory_space<hbm>> -> memref<384xi32, #tpu.memory_space<hbm>>
        %dma_start3A_138 = tpu.memref_slice %arg3[%add3A_24] : memref<1376256xi32, #tpu.memory_space<hbm>> -> memref<384xi32, #tpu.memory_space<hbm>>
        tpu.enqueue_dma source(%dma_start3A_138 : memref<384xi32, #tpu.memory_space<hbm>>) target(%arg5 : memref<384xi32, #tpu.memory_space<vmem>>) target_semaphore(%run_scoped3A : memref<!tpu.dma_semaphore, #tpu.memory_space<semaphore_mem>>)
        %dma_wait3A_139 = tpu.memref_slice %arg3[%add3A_24] : memref<1376256xi32, #tpu.memory_space<hbm>> -> memref<384xi32, #tpu.memory_space<hbm>>
        %dma_wait3A_140 = tpu.memref_slice %arg3[%add3A_24] : memref<1376256xi32, #tpu.memory_space<hbm>> -> memref<384xi32, #tpu.memory_space<hbm>>
        tpu.wait_dma2 semaphore(%run_scoped3A : memref<!tpu.dma_semaphore, #tpu.memory_space<semaphore_mem>>) src(%dma_wait3A_140 : memref<384xi32, #tpu.memory_space<hbm>>) dst(%arg5 : memref<384xi32, #tpu.memory_space<vmem>>)
        tpu.yield
      }) : () -> ()
      %gt3A = arith.constant 0 : i32
      %gt3A_27 = arith.cmpi sgt, %scan3A_19, %gt3A : i32
      %convert_element_type3A = arith.extui %gt3A_27 : i1 to i32
      %cond3A = arith.constant 0 : i32
      %cond3A_28 = arith.cmpi ne, %convert_element_type3A, %cond3A : i32
      scf.if %cond3A_28 {
        %dma_wait3A_137 = arith.constant 0 : i32
        %dma_wait3A_138 = arith.constant 0 : i32
        %dma_wait3A_139 = tpu.memref_slice %arg4[%dma_wait3A_137, %dma_wait3A_138] : memref<1376256x128xf32, #tpu.memory_space<hbm>> -> memref<384x128xf32, #tpu.memory_space<hbm>>
        %dma_wait3A_140 = arith.constant 0 : i32
        %dma_wait3A_141 = arith.constant 0 : i32
        %dma_wait3A_142 = tpu.memref_slice %arg4[%dma_wait3A_140, %dma_wait3A_141] : memref<1376256x128xf32, #tpu.memory_space<hbm>> -> memref<384x128xf32, #tpu.memory_space<hbm>>
        tpu.wait_dma2 semaphore(%arg11 : memref<!tpu.dma_semaphore, #tpu.memory_space<semaphore_mem>>) src(%arg7 : memref<384x128xf32, #tpu.memory_space<vmem>>) dst(%dma_wait3A_142 : memref<384x128xf32, #tpu.memory_space<hbm>>)
      } else {
      }
      %dma_start3A = arith.constant 0 : i32
      %dma_start3A_29 = arith.constant 0 : i32
      %dma_start3A_30 = tpu.memref_slice %arg7[%dma_start3A, %dma_start3A_29] : memref<384x128xf32, #tpu.memory_space<vmem>> -> memref<128x128xf32, #tpu.memory_space<vmem>>
      %dma_start3A_31 = arith.constant 0 : i32
      %dma_start3A_32 = tpu.memref_slice %arg5[%dma_start3A_31] : memref<384xi32, #tpu.memory_space<vmem>> -> memref<128xi32, #tpu.memory_space<vmem>>
      %dma_start3A_33 = arith.constant 0 : i32
      %dma_start3A_34 = arith.constant 0 : i32
      %dma_start3A_35 = tpu.memref_slice %arg2[%dma_start3A_33, %dma_start3A_34] : memref<200000x128xf32, #tpu.memory_space<hbm>> -> memref<200000x128xf32, #tpu.memory_space<hbm>>
      tpu.enqueue_indirect_dma source(%dma_start3A_35 : memref<200000x128xf32, #tpu.memory_space<hbm>>) target(%dma_start3A_30 : memref<128x128xf32, #tpu.memory_space<vmem>>) offsets(%dma_start3A_32 : memref<128xi32, #tpu.memory_space<vmem>>) semaphore(%arg9 : memref<!tpu.dma_semaphore, #tpu.memory_space<semaphore_mem>>)
      %dma_start3A_36 = arith.constant 128 : i32
      %dma_start3A_37 = arith.constant 0 : i32
      %dma_start3A_38 = tpu.memref_slice %arg7[%dma_start3A_36, %dma_start3A_37] : memref<384x128xf32, #tpu.memory_space<vmem>> -> memref<128x128xf32, #tpu.memory_space<vmem>>
      %dma_start3A_39 = arith.constant 128 : i32
      %dma_start3A_40 = tpu.memref_slice %arg5[%dma_start3A_39] : memref<384xi32, #tpu.memory_space<vmem>> -> memref<128xi32, #tpu.memory_space<vmem>>
      %dma_start3A_41 = arith.constant 0 : i32
      %dma_start3A_42 = arith.constant 0 : i32
      %dma_start3A_43 = tpu.memref_slice %arg2[%dma_start3A_41, %dma_start3A_42] : memref<200000x128xf32, #tpu.memory_space<hbm>> -> memref<200000x128xf32, #tpu.memory_space<hbm>>
      tpu.enqueue_indirect_dma source(%dma_start3A_43 : memref<200000x128xf32, #tpu.memory_space<hbm>>) target(%dma_start3A_38 : memref<128x128xf32, #tpu.memory_space<vmem>>) offsets(%dma_start3A_40 : memref<128xi32, #tpu.memory_space<vmem>>) semaphore(%arg9 : memref<!tpu.dma_semaphore, #tpu.memory_space<semaphore_mem>>)
      %dma_start3A_44 = arith.constant 256 : i32
      %dma_start3A_45 = arith.constant 0 : i32
      %dma_start3A_46 = tpu.memref_slice %arg7[%dma_start3A_44, %dma_start3A_45] : memref<384x128xf32, #tpu.memory_space<vmem>> -> memref<128x128xf32, #tpu.memory_space<vmem>>
      %dma_start3A_47 = arith.constant 256 : i32
      %dma_start3A_48 = tpu.memref_slice %arg5[%dma_start3A_47] : memref<384xi32, #tpu.memory_space<vmem>> -> memref<128xi32, #tpu.memory_space<vmem>>
      %dma_start3A_49 = arith.constant 0 : i32
      %dma_start3A_50 = arith.constant 0 : i32
      %dma_start3A_51 = tpu.memref_slice %arg2[%dma_start3A_49, %dma_start3A_50] : memref<200000x128xf32, #tpu.memory_space<hbm>> -> memref<200000x128xf32, #tpu.memory_space<hbm>>
      tpu.enqueue_indirect_dma source(%dma_start3A_51 : memref<200000x128xf32, #tpu.memory_space<hbm>>) target(%dma_start3A_46 : memref<128x128xf32, #tpu.memory_space<vmem>>) offsets(%dma_start3A_48 : memref<128xi32, #tpu.memory_space<vmem>>) semaphore(%arg9 : memref<!tpu.dma_semaphore, #tpu.memory_space<semaphore_mem>>)
      "tpu.region"() ({
        %run_scoped3A = tpu.sem_alloc : memref<!tpu.dma_semaphore, #tpu.memory_space<semaphore_mem>>
        %dma_start3A_137 = tpu.memref_slice %arg3[%add3A_26] : memref<1376256xi32, #tpu.memory_space<hbm>> -> memref<384xi32, #tpu.memory_space<hbm>>
        %dma_start3A_138 = tpu.memref_slice %arg3[%add3A_26] : memref<1376256xi32, #tpu.memory_space<hbm>> -> memref<384xi32, #tpu.memory_space<hbm>>
        tpu.enqueue_dma source(%dma_start3A_138 : memref<384xi32, #tpu.memory_space<hbm>>) target(%arg6 : memref<384xi32, #tpu.memory_space<vmem>>) target_semaphore(%run_scoped3A : memref<!tpu.dma_semaphore, #tpu.memory_space<semaphore_mem>>)
        %dma_wait3A_139 = tpu.memref_slice %arg3[%add3A_26] : memref<1376256xi32, #tpu.memory_space<hbm>> -> memref<384xi32, #tpu.memory_space<hbm>>
        %dma_wait3A_140 = tpu.memref_slice %arg3[%add3A_26] : memref<1376256xi32, #tpu.memory_space<hbm>> -> memref<384xi32, #tpu.memory_space<hbm>>
        tpu.wait_dma2 semaphore(%run_scoped3A : memref<!tpu.dma_semaphore, #tpu.memory_space<semaphore_mem>>) src(%dma_wait3A_140 : memref<384xi32, #tpu.memory_space<hbm>>) dst(%arg6 : memref<384xi32, #tpu.memory_space<vmem>>)
        tpu.yield
      }) : () -> ()
      %gt3A_52 = arith.constant 0 : i32
      %gt3A_53 = arith.cmpi sgt, %scan3A_19, %gt3A_52 : i32
      %convert_element_type3A_54 = arith.extui %gt3A_53 : i1 to i32
      %cond3A_55 = arith.constant 0 : i32
      %cond3A_56 = arith.cmpi ne, %convert_element_type3A_54, %cond3A_55 : i32
      scf.if %cond3A_56 {
        %dma_wait3A_137 = arith.constant 0 : i32
        %dma_wait3A_138 = arith.constant 0 : i32
        %dma_wait3A_139 = tpu.memref_slice %arg4[%dma_wait3A_137, %dma_wait3A_138] : memref<1376256x128xf32, #tpu.memory_space<hbm>> -> memref<384x128xf32, #tpu.memory_space<hbm>>
        %dma_wait3A_140 = arith.constant 0 : i32
        %dma_wait3A_141 = arith.constant 0 : i32
        %dma_wait3A_142 = tpu.memref_slice %arg4[%dma_wait3A_140, %dma_wait3A_141] : memref<1376256x128xf32, #tpu.memory_space<hbm>> -> memref<384x128xf32, #tpu.memory_space<hbm>>
        tpu.wait_dma2 semaphore(%arg12 : memref<!tpu.dma_semaphore, #tpu.memory_space<semaphore_mem>>) src(%arg8 : memref<384x128xf32, #tpu.memory_space<vmem>>) dst(%dma_wait3A_142 : memref<384x128xf32, #tpu.memory_space<hbm>>)
      } else {
      }
      %dma_start3A_57 = arith.constant 0 : i32
      %dma_start3A_58 = arith.constant 0 : i32
      %dma_start3A_59 = tpu.memref_slice %arg8[%dma_start3A_57, %dma_start3A_58] : memref<384x128xf32, #tpu.memory_space<vmem>> -> memref<128x128xf32, #tpu.memory_space<vmem>>
      %dma_start3A_60 = arith.constant 0 : i32
      %dma_start3A_61 = tpu.memref_slice %arg6[%dma_start3A_60] : memref<384xi32, #tpu.memory_space<vmem>> -> memref<128xi32, #tpu.memory_space<vmem>>
      %dma_start3A_62 = arith.constant 0 : i32
      %dma_start3A_63 = arith.constant 0 : i32
      %dma_start3A_64 = tpu.memref_slice %arg2[%dma_start3A_62, %dma_start3A_63] : memref<200000x128xf32, #tpu.memory_space<hbm>> -> memref<200000x128xf32, #tpu.memory_space<hbm>>
      tpu.enqueue_indirect_dma source(%dma_start3A_64 : memref<200000x128xf32, #tpu.memory_space<hbm>>) target(%dma_start3A_59 : memref<128x128xf32, #tpu.memory_space<vmem>>) offsets(%dma_start3A_61 : memref<128xi32, #tpu.memory_space<vmem>>) semaphore(%arg10 : memref<!tpu.dma_semaphore, #tpu.memory_space<semaphore_mem>>)
      %dma_start3A_65 = arith.constant 128 : i32
      %dma_start3A_66 = arith.constant 0 : i32
      %dma_start3A_67 = tpu.memref_slice %arg8[%dma_start3A_65, %dma_start3A_66] : memref<384x128xf32, #tpu.memory_space<vmem>> -> memref<128x128xf32, #tpu.memory_space<vmem>>
      %dma_start3A_68 = arith.constant 128 : i32
      %dma_start3A_69 = tpu.memref_slice %arg6[%dma_start3A_68] : memref<384xi32, #tpu.memory_space<vmem>> -> memref<128xi32, #tpu.memory_space<vmem>>
      %dma_start3A_70 = arith.constant 0 : i32
      %dma_start3A_71 = arith.constant 0 : i32
      %dma_start3A_72 = tpu.memref_slice %arg2[%dma_start3A_70, %dma_start3A_71] : memref<200000x128xf32, #tpu.memory_space<hbm>> -> memref<200000x128xf32, #tpu.memory_space<hbm>>
      tpu.enqueue_indirect_dma source(%dma_start3A_72 : memref<200000x128xf32, #tpu.memory_space<hbm>>) target(%dma_start3A_67 : memref<128x128xf32, #tpu.memory_space<vmem>>) offsets(%dma_start3A_69 : memref<128xi32, #tpu.memory_space<vmem>>) semaphore(%arg10 : memref<!tpu.dma_semaphore, #tpu.memory_space<semaphore_mem>>)
      %dma_start3A_73 = arith.constant 256 : i32
      %dma_start3A_74 = arith.constant 0 : i32
      %dma_start3A_75 = tpu.memref_slice %arg8[%dma_start3A_73, %dma_start3A_74] : memref<384x128xf32, #tpu.memory_space<vmem>> -> memref<128x128xf32, #tpu.memory_space<vmem>>
      %dma_start3A_76 = arith.constant 256 : i32
      %dma_start3A_77 = tpu.memref_slice %arg6[%dma_start3A_76] : memref<384xi32, #tpu.memory_space<vmem>> -> memref<128xi32, #tpu.memory_space<vmem>>
      %dma_start3A_78 = arith.constant 0 : i32
      %dma_start3A_79 = arith.constant 0 : i32
      %dma_start3A_80 = tpu.memref_slice %arg2[%dma_start3A_78, %dma_start3A_79] : memref<200000x128xf32, #tpu.memory_space<hbm>> -> memref<200000x128xf32, #tpu.memory_space<hbm>>
      tpu.enqueue_indirect_dma source(%dma_start3A_80 : memref<200000x128xf32, #tpu.memory_space<hbm>>) target(%dma_start3A_75 : memref<128x128xf32, #tpu.memory_space<vmem>>) offsets(%dma_start3A_77 : memref<128xi32, #tpu.memory_space<vmem>>) semaphore(%arg10 : memref<!tpu.dma_semaphore, #tpu.memory_space<semaphore_mem>>)
      %dma_wait3A_81 = arith.constant 0 : i32
      %dma_wait3A_82 = arith.constant 0 : i32
      %dma_wait3A_83 = tpu.memref_slice %arg7[%dma_wait3A_81, %dma_wait3A_82] : memref<384x128xf32, #tpu.memory_space<vmem>> -> memref<128x128xf32, #tpu.memory_space<vmem>>
      %dma_wait3A_84 = arith.constant 0 : i32
      %dma_wait3A_85 = tpu.memref_slice %arg5[%dma_wait3A_84] : memref<384xi32, #tpu.memory_space<vmem>> -> memref<128xi32, #tpu.memory_space<vmem>>
      %dma_wait3A_86 = arith.constant 0 : i32
      %dma_wait3A_87 = arith.constant 0 : i32
      %dma_wait3A_88 = tpu.memref_slice %arg2[%dma_wait3A_86, %dma_wait3A_87] : memref<200000x128xf32, #tpu.memory_space<hbm>> -> memref<200000x128xf32, #tpu.memory_space<hbm>>
      tpu.wait_indirect_dma semaphore(%arg9 : memref<!tpu.dma_semaphore, #tpu.memory_space<semaphore_mem>>) src(%dma_wait3A_88 : memref<200000x128xf32, #tpu.memory_space<hbm>>) dst(%dma_wait3A_83 : memref<128x128xf32, #tpu.memory_space<vmem>>)
      %dma_wait3A_89 = arith.constant 128 : i32
      %dma_wait3A_90 = arith.constant 0 : i32
      %dma_wait3A_91 = tpu.memref_slice %arg7[%dma_wait3A_89, %dma_wait3A_90] : memref<384x128xf32, #tpu.memory_space<vmem>> -> memref<128x128xf32, #tpu.memory_space<vmem>>
      %dma_wait3A_92 = arith.constant 128 : i32
      %dma_wait3A_93 = tpu.memref_slice %arg5[%dma_wait3A_92] : memref<384xi32, #tpu.memory_space<vmem>> -> memref<128xi32, #tpu.memory_space<vmem>>
      %dma_wait3A_94 = arith.constant 0 : i32
      %dma_wait3A_95 = arith.constant 0 : i32
      %dma_wait3A_96 = tpu.memref_slice %arg2[%dma_wait3A_94, %dma_wait3A_95] : memref<200000x128xf32, #tpu.memory_space<hbm>> -> memref<200000x128xf32, #tpu.memory_space<hbm>>
      tpu.wait_indirect_dma semaphore(%arg9 : memref<!tpu.dma_semaphore, #tpu.memory_space<semaphore_mem>>) src(%dma_wait3A_96 : memref<200000x128xf32, #tpu.memory_space<hbm>>) dst(%dma_wait3A_91 : memref<128x128xf32, #tpu.memory_space<vmem>>)
      %dma_wait3A_97 = arith.constant 256 : i32
      %dma_wait3A_98 = arith.constant 0 : i32
      %dma_wait3A_99 = tpu.memref_slice %arg7[%dma_wait3A_97, %dma_wait3A_98] : memref<384x128xf32, #tpu.memory_space<vmem>> -> memref<128x128xf32, #tpu.memory_space<vmem>>
      %dma_wait3A_100 = arith.constant 256 : i32
      %dma_wait3A_101 = tpu.memref_slice %arg5[%dma_wait3A_100] : memref<384xi32, #tpu.memory_space<vmem>> -> memref<128xi32, #tpu.memory_space<vmem>>
      %dma_wait3A_102 = arith.constant 0 : i32
      %dma_wait3A_103 = arith.constant 0 : i32
      %dma_wait3A_104 = tpu.memref_slice %arg2[%dma_wait3A_102, %dma_wait3A_103] : memref<200000x128xf32, #tpu.memory_space<hbm>> -> memref<200000x128xf32, #tpu.memory_space<hbm>>
      tpu.wait_indirect_dma semaphore(%arg9 : memref<!tpu.dma_semaphore, #tpu.memory_space<semaphore_mem>>) src(%dma_wait3A_104 : memref<200000x128xf32, #tpu.memory_space<hbm>>) dst(%dma_wait3A_99 : memref<128x128xf32, #tpu.memory_space<vmem>>)
      %dma_start3A_105 = arith.constant 0 : i32
      %dma_start3A_106 = tpu.memref_slice %arg4[%add3A_24, %dma_start3A_105] : memref<1376256x128xf32, #tpu.memory_space<hbm>> -> memref<384x128xf32, #tpu.memory_space<hbm>>
      %dma_start3A_107 = arith.constant 0 : i32
      %dma_start3A_108 = tpu.memref_slice %arg4[%add3A_24, %dma_start3A_107] : memref<1376256x128xf32, #tpu.memory_space<hbm>> -> memref<384x128xf32, #tpu.memory_space<hbm>>
      tpu.enqueue_dma source(%arg7 : memref<384x128xf32, #tpu.memory_space<vmem>>) target(%dma_start3A_108 : memref<384x128xf32, #tpu.memory_space<hbm>>) target_semaphore(%arg11 : memref<!tpu.dma_semaphore, #tpu.memory_space<semaphore_mem>>)
      %dma_wait3A_109 = arith.constant 0 : i32
      %dma_wait3A_110 = arith.constant 0 : i32
      %dma_wait3A_111 = tpu.memref_slice %arg8[%dma_wait3A_109, %dma_wait3A_110] : memref<384x128xf32, #tpu.memory_space<vmem>> -> memref<128x128xf32, #tpu.memory_space<vmem>>
      %dma_wait3A_112 = arith.constant 0 : i32
      %dma_wait3A_113 = tpu.memref_slice %arg6[%dma_wait3A_112] : memref<384xi32, #tpu.memory_space<vmem>> -> memref<128xi32, #tpu.memory_space<vmem>>
      %dma_wait3A_114 = arith.constant 0 : i32
      %dma_wait3A_115 = arith.constant 0 : i32
      %dma_wait3A_116 = tpu.memref_slice %arg2[%dma_wait3A_114, %dma_wait3A_115] : memref<200000x128xf32, #tpu.memory_space<hbm>> -> memref<200000x128xf32, #tpu.memory_space<hbm>>
      tpu.wait_indirect_dma semaphore(%arg10 : memref<!tpu.dma_semaphore, #tpu.memory_space<semaphore_mem>>) src(%dma_wait3A_116 : memref<200000x128xf32, #tpu.memory_space<hbm>>) dst(%dma_wait3A_111 : memref<128x128xf32, #tpu.memory_space<vmem>>)
      %dma_wait3A_117 = arith.constant 128 : i32
      %dma_wait3A_118 = arith.constant 0 : i32
      %dma_wait3A_119 = tpu.memref_slice %arg8[%dma_wait3A_117, %dma_wait3A_118] : memref<384x128xf32, #tpu.memory_space<vmem>> -> memref<128x128xf32, #tpu.memory_space<vmem>>
      %dma_wait3A_120 = arith.constant 128 : i32
      %dma_wait3A_121 = tpu.memref_slice %arg6[%dma_wait3A_120] : memref<384xi32, #tpu.memory_space<vmem>> -> memref<128xi32, #tpu.memory_space<vmem>>
      %dma_wait3A_122 = arith.constant 0 : i32
      %dma_wait3A_123 = arith.constant 0 : i32
      %dma_wait3A_124 = tpu.memref_slice %arg2[%dma_wait3A_122, %dma_wait3A_123] : memref<200000x128xf32, #tpu.memory_space<hbm>> -> memref<200000x128xf32, #tpu.memory_space<hbm>>
      tpu.wait_indirect_dma semaphore(%arg10 : memref<!tpu.dma_semaphore, #tpu.memory_space<semaphore_mem>>) src(%dma_wait3A_124 : memref<200000x128xf32, #tpu.memory_space<hbm>>) dst(%dma_wait3A_119 : memref<128x128xf32, #tpu.memory_space<vmem>>)
      %dma_wait3A_125 = arith.constant 256 : i32
      %dma_wait3A_126 = arith.constant 0 : i32
      %dma_wait3A_127 = tpu.memref_slice %arg8[%dma_wait3A_125, %dma_wait3A_126] : memref<384x128xf32, #tpu.memory_space<vmem>> -> memref<128x128xf32, #tpu.memory_space<vmem>>
      %dma_wait3A_128 = arith.constant 256 : i32
      %dma_wait3A_129 = tpu.memref_slice %arg6[%dma_wait3A_128] : memref<384xi32, #tpu.memory_space<vmem>> -> memref<128xi32, #tpu.memory_space<vmem>>
      %dma_wait3A_130 = arith.constant 0 : i32
      %dma_wait3A_131 = arith.constant 0 : i32
      %dma_wait3A_132 = tpu.memref_slice %arg2[%dma_wait3A_130, %dma_wait3A_131] : memref<200000x128xf32, #tpu.memory_space<hbm>> -> memref<200000x128xf32, #tpu.memory_space<hbm>>
      tpu.wait_indirect_dma semaphore(%arg10 : memref<!tpu.dma_semaphore, #tpu.memory_space<semaphore_mem>>) src(%dma_wait3A_132 : memref<200000x128xf32, #tpu.memory_space<hbm>>) dst(%dma_wait3A_127 : memref<128x128xf32, #tpu.memory_space<vmem>>)
      %dma_start3A_133 = arith.constant 0 : i32
      %dma_start3A_134 = tpu.memref_slice %arg4[%add3A_26, %dma_start3A_133] : memref<1376256x128xf32, #tpu.memory_space<hbm>> -> memref<384x128xf32, #tpu.memory_space<hbm>>
      %dma_start3A_135 = arith.constant 0 : i32
      %dma_start3A_136 = tpu.memref_slice %arg4[%add3A_26, %dma_start3A_135] : memref<1376256x128xf32, #tpu.memory_space<hbm>> -> memref<384x128xf32, #tpu.memory_space<hbm>>
      tpu.enqueue_dma source(%arg8 : memref<384x128xf32, #tpu.memory_space<vmem>>) target(%dma_start3A_136 : memref<384x128xf32, #tpu.memory_space<hbm>>) target_semaphore(%arg12 : memref<!tpu.dma_semaphore, #tpu.memory_space<semaphore_mem>>)
    }
    %scan3A_7 = arith.constant 56 : i32
    %dma_wait3A = arith.constant 0 : i32
    %dma_wait3A_8 = arith.constant 0 : i32
    %dma_wait3A_9 = tpu.memref_slice %arg4[%dma_wait3A, %dma_wait3A_8] : memref<1376256x128xf32, #tpu.memory_space<hbm>> -> memref<384x128xf32, #tpu.memory_space<hbm>>
    %dma_wait3A_10 = arith.constant 0 : i32
    %dma_wait3A_11 = arith.constant 0 : i32
    %dma_wait3A_12 = tpu.memref_slice %arg4[%dma_wait3A_10, %dma_wait3A_11] : memref<1376256x128xf32, #tpu.memory_space<hbm>> -> memref<384x128xf32, #tpu.memory_space<hbm>>
    tpu.wait_dma2 semaphore(%arg11 : memref<!tpu.dma_semaphore, #tpu.memory_space<semaphore_mem>>) src(%arg7 : memref<384x128xf32, #tpu.memory_space<vmem>>) dst(%dma_wait3A_12 : memref<384x128xf32, #tpu.memory_space<hbm>>)
    %dma_wait3A_13 = arith.constant 0 : i32
    %dma_wait3A_14 = arith.constant 0 : i32
    %dma_wait3A_15 = tpu.memref_slice %arg4[%dma_wait3A_13, %dma_wait3A_14] : memref<1376256x128xf32, #tpu.memory_space<hbm>> -> memref<384x128xf32, #tpu.memory_space<hbm>>
    %dma_wait3A_16 = arith.constant 0 : i32
    %dma_wait3A_17 = arith.constant 0 : i32
    %dma_wait3A_18 = tpu.memref_slice %arg4[%dma_wait3A_16, %dma_wait3A_17] : memref<1376256x128xf32, #tpu.memory_space<hbm>> -> memref<384x128xf32, #tpu.memory_space<hbm>>
    tpu.wait_dma2 semaphore(%arg12 : memref<!tpu.dma_semaphore, #tpu.memory_space<semaphore_mem>>) src(%arg8 : memref<384x128xf32, #tpu.memory_space<vmem>>) dst(%dma_wait3A_18 : memref<384x128xf32, #tpu.memory_space<hbm>>)
    return
  }
}

module attributes {stable_mosaic.version = 14 : i64} {
  func.func @_mm_body(%arg0: i32, %arg1: i32, %arg2: memref<2000x128xf32, #tpu.memory_space<vmem>>, %arg3: memref<1x128x128xbf16, #tpu.memory_space<vmem>>, %arg4: memref<2000x128xf32, #tpu.memory_space<vmem>>) attributes {dimension_semantics = [#tpu.dimension_semantics<arbitrary>, #tpu.dimension_semantics<arbitrary>], iteration_bounds = array<i64: 27, 25>, scalar_prefetch = 0 : i64, scratch_operands = 0 : i64, tpu.core_type = #tpu.core_type<tc>, window_params = [{transform_indices = @transform_0, window_bounds = array<i64: 2000, 128>}, {transform_indices = @transform_1, window_bounds = array<i64: 1, 128, 128>}, {transform_indices = @transform_2, window_bounds = array<i64: 2000, 128>}]} {
    %get3A = arith.constant 0 : index
    %get3A_0 = arith.constant 0 : index
    %get3A_1 = vector.load %arg2[%get3A, %get3A_0] : memref<2000x128xf32, #tpu.memory_space<vmem>>, vector<2000x128xf32>
    %convert_element_type3A = arith.truncf %get3A_1 : vector<2000x128xf32> to vector<2000x128xbf16>
    %get3A_2 = arith.constant 0 : index
    %get3A_3 = arith.constant 0 : index
    %get3A_4 = arith.constant 0 : index
    %get3A_5 = vector.load %arg3[%get3A_2, %get3A_3, %get3A_4] : memref<1x128x128xbf16, #tpu.memory_space<vmem>>, vector<1x128x128xbf16>
    %get3A_6 = vector.shape_cast %get3A_5 : vector<1x128x128xbf16> to vector<128x128xbf16>
    %dot_general3A = arith.constant dense<0.000000e+00> : vector<2000x128xf32>
    %dot_general3A_7 = tpu.matmul %convert_element_type3A, %get3A_6, %dot_general3A {dimension_numbers = #tpu.dot_dimension_numbers<[1], [0], [0], [1], [0, 0, 1, 1], [], []>, transpose_lhs_hint = false} : vector<2000x128xbf16>, vector<128x128xbf16>, vector<2000x128xf32> -> vector<2000x128xf32>
    %swap3A = arith.constant 0 : index
    %swap3A_8 = arith.constant 0 : index
    %swap3A_9 = vector.load %arg4[%swap3A, %swap3A_8] : memref<2000x128xf32, #tpu.memory_space<vmem>>, vector<2000x128xf32>
    tpu.vector_store %arg4[%swap3A, %swap3A_8], %dot_general3A_7 {strides = array<i32>} : memref<2000x128xf32, #tpu.memory_space<vmem>>, vector<2000x128xf32>,
    return
  }
  func.func @transform_0(%arg0: i32, %arg1: i32) -> (i32, i32) {
    %mul3A = arith.constant 25 : i32
    %mul3A_0 = arith.muli %arg0, %mul3A : i32
    %add3A = arith.addi %mul3A_0, %arg1 : i32
    %c0_i32 = arith.constant 0 : i32
    %c0_i32_1 = arith.constant 0 : i32
    return %add3A, %c0_i32 : i32, i32
  }
  func.func @transform_1(%arg0: i32, %arg1: i32) -> (i32, i32, i32) {
    %c0_i32 = arith.constant 0 : i32
    %c0_i32_0 = arith.constant 0 : i32
    %c0_i32_1 = arith.constant 0 : i32
    return %arg0, %c0_i32, %c0_i32_0 : i32, i32, i32
  }
  func.func @transform_2(%arg0: i32, %arg1: i32) -> (i32, i32) {
    %mul3A = arith.constant 25 : i32
    %mul3A_0 = arith.muli %arg0, %mul3A : i32
    %add3A = arith.addi %mul3A_0, %arg1 : i32
    %c0_i32 = arith.constant 0 : i32
    %c0_i32_1 = arith.constant 0 : i32
    return %add3A, %c0_i32 : i32, i32
  }
}

module attributes {stable_mosaic.version = 14 : i64} {
  func.func @_add_body(%arg0: i32, %arg1: memref<1264x128xf32, #tpu.memory_space<vmem>>, %arg2: memref<1264x128xf32, #tpu.memory_space<vmem>>, %arg3: memref<1264x128xf32, #tpu.memory_space<vmem>>) attributes {dimension_semantics = [#tpu.dimension_semantics<arbitrary>], iteration_bounds = array<i64: 40>, scalar_prefetch = 0 : i64, scratch_operands = 0 : i64, tpu.core_type = #tpu.core_type<tc>, window_params = [{transform_indices = @transform_0, window_bounds = array<i64: 1264, 128>}, {transform_indices = @transform_1, window_bounds = array<i64: 1264, 128>}, {transform_indices = @transform_2, window_bounds = array<i64: 1264, 128>}]} {
    %get3A = arith.constant 0 : index
    %get3A_0 = arith.constant 0 : index
    %get3A_1 = vector.load %arg1[%get3A, %get3A_0] : memref<1264x128xf32, #tpu.memory_space<vmem>>, vector<1264x128xf32>
    %get3A_2 = arith.constant 0 : index
    %get3A_3 = arith.constant 0 : index
    %get3A_4 = vector.load %arg2[%get3A_2, %get3A_3] : memref<1264x128xf32, #tpu.memory_space<vmem>>, vector<1264x128xf32>
    %add3A = arith.addf %get3A_1, %get3A_4 : vector<1264x128xf32>
    %swap3A = arith.constant 0 : index
    %swap3A_5 = arith.constant 0 : index
    %swap3A_6 = vector.load %arg3[%swap3A, %swap3A_5] : memref<1264x128xf32, #tpu.memory_space<vmem>>, vector<1264x128xf32>
    tpu.vector_store %arg3[%swap3A, %swap3A_5], %add3A {strides = array<i32>} : memref<1264x128xf32, #tpu.memory_space<vmem>>, vector<1264x128xf32>,
    return
  }
  func.func @transform_0(%arg0: i32) -> (i32, i32) {
    %c0_i32 = arith.constant 0 : i32
    %c0_i32_0 = arith.constant 0 : i32
    return %arg0, %c0_i32 : i32, i32
  }
  func.func @transform_1(%arg0: i32) -> (i32, i32) {
    %c0_i32 = arith.constant 0 : i32
    %c0_i32_0 = arith.constant 0 : i32
    return %arg0, %c0_i32 : i32, i32
  }
  func.func @transform_2(%arg0: i32) -> (i32, i32) {
    %c0_i32 = arith.constant 0 : i32
    %c0_i32_0 = arith.constant 0 : i32
    return %arg0, %c0_i32 : i32, i32
  }
}

</mosaic_0001>

<sc_bundles>
// kernel: kernel.10.cloned.1.call-start
scs
__scs_entry_jumppad:
0x0: {  	(pc) =	sbr.rel $0x88, $3  }
0x1: {  	(tag) =	ssettag $0x0;
	lr =	simm.s32 $0x1  }
0x2: {  	[smem:$0x3F9D] =	sst lr;
	_ =	strace $0xD0000000  }
0x3: {  	_ = 	snop  }
0x4: {  	_ = 	snop  }
0x5: {  	_ = 	snop  }
0x6: {  	_ = 	snop  }
0x7: {  	_ = 	snop  }
__scs_overlays_trampoline_lowered:
0x8: {  	[smem:$0x3FAC] =	sst s0  }
0x9: {  	[smem:$0x3FAD] =	sst s1  }
0xa: {  	[smem:$0x3FAE] =	sst s2  }
0xb: {  	[smem:$0x3FAF] =	sst s3  }
0xc: {  	[smem:$0x3FB0] =	sst s4  }
0xd: {  	[smem:$0x3FB1] =	sst s5  }
0xe: {  	[smem:$0x3FB2] =	sst s6  }
0xf: {  	[smem:$0x3FB3] =	sst s7  }
0x10: {  	[smem:$0x3FB4] =	sst s8  }
0x11: {  	[smem:$0x3FB5] =	sst s9;
	s0 =	simm.s32 @!p0 $0x0  }
0x12: {  	s1 =	sld [smem:$0x3F9B];
	s0 =	simm.s32 @p0 $0x1  }
0x13: {  	[smem:$0x3FB6] =	sst s0;
	s0 =	simm.s32 @!p1 $0x0  }
0x14: {  	s2 =	sld [smem:$0x3F9A];
	s0 =	simm.s32 @p1 $0x1  }
0x15: {  	[smem:$0x3FB7] =	sst s0;
	s0 =	simm.s32 @!p2 $0x0  }
0x16: {  	s3 =	sld [smem:$0x3FDB];
	s0 =	simm.s32 @p2 $0x1  }
0x17: {  	s4 =	simm.s32 $0x1BF5;
	[smem:$0x3FB9] =	sst s0  }
0x18: {  	s0 =	sld [smem:$0x3F9C];
	_ =	swait.ge [sflag:s4], $0x0  }
0x19: {  	s7 =	sld [smem:$0x3F9D]  }
0x1a: {  	s8 =	sadd.s32 $0xFFFFE003, lr  }
0x1b: {  	s9 =	sadd.s32 $0xFFFFFEF7, lr;
	s5 =	simm.s32 $0xFFFFFFFF;
	p2 =	slt.u32 s8, $0xFFFFF086  }
0x1c: {  	p1 =	slt.u32 s9, $0xF7A;
	s5 =	simm.s32 @!p2 $0x0  }
0x1d: {  	s5 =	simm.s32 @p1 $0x1;
	p0 =	seq.s32 s7, s2  }
0x1e: {  	s7 =	smul.u32 @!p0 $0xF7A, s2;
	p2 =	seq.s32 @!p0 s5, $0x0  }
0x1f: {  	s9 =	smul.u32 $0xF7A, s1;
	s8 =	simm.s32 @!p0 $0x1BF5;
	p2 =	por !p2, p0  }
0x20: {  	[sflag:s8] =	ssyncset.s32 @!p0 $0xFFFFF086;
	s6 =	sadd.s32 @!p0 s3, s7;
	s7 =	simm.s32 @!p0 $0x108  }
0x21: {  	s3 =	sadd.s32 s3, s9;
	s6 =	sadd.s32 @!p0 $0x88, s6;
	s7 =	simm.s32 @p2 $0x1082  }
0x22: {  	[simem:s7], [sflag:s8] =	dma.local @!p0 [hbm:s6], $0xF7A  }
0x23: {  	s9 =	sor.u32 $0xD0000000, s2;
	s6 =	simm.s32 $0x108;
	_ =	swait.ge @!p0 [sflag:s8], $0x0  }
0x24: {  	s3 =	sadd.s32 $0x88, s3;
	s6 =	simm.s32 @!p1 $0x1082;
	[sflag:s4] =	ssyncset.s32 $0xFFFFF086  }
0x25: {  	[simem:s6], [sflag:s4] =	dma.local [hbm:s3], $0xF7A  }
0x26: {  	[smem:$0x3F9D] =	sst s1;
	(tag) =	ssettag s2;
	_ =	strace s9  }
0x27: {  	s1 =	sld [smem:$0x3FAD]  }
0x28: {  	s2 =	sld [smem:$0x3FAE]  }
0x29: {  	s4 =	sld [smem:$0x3FB0]  }
0x2a: {  	p0 =	seq.s32 s5, $0x0;
	s5 =	sld [smem:$0x3FB1]  }
0x2b: {  	s6 =	sld [smem:$0x3FB2]  }
0x2c: {  	s7 =	sld [smem:$0x3FB3]  }
0x2d: {  	s3 =	simm.s32 $0x108;
	s8 =	sld [smem:$0x3FB4]  }
0x2e: {  	s3 =	simm.s32 @!p0 $0x1082;
	s9 =	sld [smem:$0x3FB5]  }
0x2f: {  	lr =	sadd.s32 s0, s3;
	s0 =	sld [smem:$0x3FAC]  }
0x30: {  	s3 =	sld [smem:$0x3FAF]  }
0x31: {  	[smem:$0x3FB8] =	sst s10  }
0x32: {  	s10 =	sld [smem:$0x3FB6];
	_ =	sdelay $0x3  }
0x33: {  	p0 =	seq.s32 s10, $0x1;
	s10 =	sld [smem:$0x3FB8];
	_ =	sdelay $0x3  }
0x34: {  	[smem:$0x3FB8] =	sst s10  }
0x35: {  	s10 =	sld [smem:$0x3FB7];
	_ =	sdelay $0x3  }
0x36: {  	p1 =	seq.s32 s10, $0x1;
	s10 =	sld [smem:$0x3FB8];
	_ =	sdelay $0x3  }
0x37: {  	[smem:$0x3FB8] =	sst s10  }
0x38: {  	s10 =	sld [smem:$0x3FB9]  }
0x39: {  	_ = 	snop;
	(pc) =	sbr.ind lr, $3  }
0x3a: {  	_ = 	snop  }
0x3b: {  	_ = 	snop  }
0x3c: {  	p2 =	seq.s32 s10, $0x1;
	s10 =	sld [smem:$0x3FB8]  }
0x3d: {  	_ =	shalt  }
0x3e: {  	_ =	shalt  }
0x3f: {  	_ =	shalt  }
0x40: {  	_ =	shalt  }
0x41: {  	_ =	shalt  }
0x42: {  	_ =	shalt  }
0x43: {  	_ =	shalt  }
0x44: {  	_ =	shalt  }
0x45: {  	_ =	shalt  }
0x46: {  	_ =	shalt  }
0x47: {  	_ =	shalt  }
0x48: {  	_ =	shalt  }
0x49: {  	_ =	shalt  }
0x4a: {  	_ =	shalt  }
0x4b: {  	_ =	shalt  }
0x4c: {  	_ =	shalt  }
0x4d: {  	_ =	shalt  }
0x4e: {  	_ =	shalt  }
0x4f: {  	_ =	shalt  }
0x50: {  	_ =	shalt  }
0x51: {  	_ =	shalt  }
0x52: {  	_ =	shalt  }
0x53: {  	_ =	shalt  }
0x54: {  	_ =	shalt  }
0x55: {  	_ =	shalt  }
0x56: {  	_ =	shalt  }
0x57: {  	_ =	shalt  }
0x58: {  	_ =	shalt  }
0x59: {  	_ =	shalt  }
0x5a: {  	_ =	shalt  }
0x5b: {  	_ =	shalt  }
0x5c: {  	_ =	shalt  }
0x5d: {  	_ =	shalt  }
0x5e: {  	_ =	shalt  }
0x5f: {  	_ =	shalt  }
0x60: {  	_ =	shalt  }
0x61: {  	_ =	shalt  }
0x62: {  	_ =	shalt  }
0x63: {  	_ =	shalt  }
0x64: {  	_ =	shalt  }
0x65: {  	_ =	shalt  }
0x66: {  	_ =	shalt  }
0x67: {  	_ =	shalt  }
0x68: {  	_ =	shalt  }
0x69: {  	_ =	shalt  }
0x6a: {  	_ =	shalt  }
0x6b: {  	_ =	shalt  }
0x6c: {  	_ =	shalt  }
0x6d: {  	_ =	shalt  }
0x6e: {  	_ =	shalt  }
0x6f: {  	_ =	shalt  }
0x70: {  	_ =	shalt  }
0x71: {  	_ =	shalt  }
0x72: {  	_ =	shalt  }
0x73: {  	_ =	shalt  }
0x74: {  	_ =	shalt  }
0x75: {  	_ =	shalt  }
0x76: {  	_ =	shalt  }
0x77: {  	_ =	shalt  }
0x78: {  	_ =	shalt  }
0x79: {  	_ =	shalt  }
0x7a: {  	_ =	shalt  }
0x7b: {  	_ =	shalt  }
0x7c: {  	_ =	shalt  }
0x7d: {  	_ =	shalt  }
0x7e: {  	_ =	shalt  }
0x7f: {  	_ =	shalt  }
0x80: {  	_ =	shalt  }
0x81: {  	_ =	shalt  }
0x82: {  	_ =	shalt  }
0x83: {  	_ =	shalt  }
0x84: {  	_ =	shalt  }
0x85: {  	_ =	shalt  }
0x86: {  	_ =	shalt  }
0x87: {  	_ =	shalt  }
.Lfunc_end0:
.L_simem_size_0:
called_computation.1_lowered:
.L_overlay_start_0:
0x88: {  	s2 =	sld [smem:$0x3FD9]  }
0x89: {  	s3 =	sld [smem:$0x3FFE];
	_ =	sdelay $0x1  }
0x8a: {  	s1 =	srdreg.scid  }
0x8b: {  	s0 =	sand.u32 $0x1, s1  }
0x8c: {  	s17 =	sshll.u32 s0, $0xA;
	s2 =	sadd.s32 s3, s2  }
0x8d: {  	s2 =	sadd.s32 s2, s17  }
0x8e: {  	[smem:$0x3FC4] =	sst s2  }
0x8f: {  	_ = 	snop  }
0x90: {  	s2 =	sld [smem:$0x3FD0];
	(tm) =	ssettm $0x1  }
0x91: {  	s18 =	sld [smem:$0x3FFB];
	_ =	sdelay $0x3  }
0x92: {  	_ =	strace s18  }
0x93: {  	s3 =	sld [smem:$0x3FFC];
	_ =	sdelay $0x3  }
0x94: {  	_ =	strace s3  }
0x95: {  	s3 =	sld [smem:$0x3FFD];
	_ =	sdelay $0x3  }
0x96: {  	_ =	strace s3  }
0x97: {  	_ =	strace $0x8FFFFFFF  }
0x98: {  	s19 =	sld [smem:$0x3FDB];
	_ =	sdelay $0x1  }
0x99: {  	s4 =	simm.s32 $_scs_section_size  }
0x9a: {  	s5 =	simm.s32 $_size__tile_overlayer_lowered;
	s6 =	simm.s32 $_tile_overlayer_lowered  }
0x9b: {  	s22 =	simm.s32 $0x1BFF;
	s21 =	sshll.u32 s6, $0x1;
	s3 =	sadd.s32 s4, s19  }
0x9c: {  	s7 =	simm.s32 $0x0;
	s20 =	sshll.u32 s5, $0x1;
	s5 =	sadd.s32 s21, s3  }
0x9d: {  	[timem:s7], [sflag:s22] =	dma.local [hbm:s5], s20  }
0x9e: {  	_ =	swait.ge [sflag:s22], s20  }
0x9f: {  	s4 =	ssub.s32 $0x0, s20;
	[sflag:s22] =	ssyncset.done $0x0  }
0xa0: {  	[sflag:s22] =	ssyncadd.s32 s4;
	_ =	sdelay $0x1  }
0xa1: {  	s23 =	simm.s32 $0x1B8B  }
0xa2: {  	_ =	swait.ge [sflag:s23], $0x1  }
0xa3: {  	[sflag:s23] =	ssyncset.done $0x0  }
0xa4: {  	s25 =	simm.s32 $0x1B8E;
	s24 =	sld [smem:$0x3FFE];
	[sflag:s23] =	ssyncadd.s32 $0xFFFFFFFF  }
0xa5: {  	s26 =	simm.s32 $execute0_lowered;
	[smem:$0x3FD2] =	sst s25  }
0xa6: {  	s5 =	sshll.u32 s26, $0x1;
	_ =	strace $0x80000049;
	[dreg:$0x1] =	wrdreg $0xFFFFFFFF  }
0xa7: {  	s28 =	simm.s32 $_size_execute0_lowered;
	s3 =	sadd.s32 s3, s5;
	[dreg:$0x0] =	wrdreg $0x0  }
0xa8: {  	s5 =	sshll.u32 s28, $0x1;
	[dreg:$0x2] =	wrdreg s3  }
0xa9: {  	[dreg:$0x3] =	wrdreg s5  }
0xaa: {  	[dreg:$0x4] =	wrdreg $0xC0  }
0xab: {  	_ =	task [dreg:s7], $0x5FFFF  }
0xac: {  	[dreg:$0x1] =	wrdreg $0xFFFFFFFF  }
0xad: {  	[dreg:$0x0] =	wrdreg $0x60  }
0xae: {  	[dreg:$0x2] =	wrdreg s2  }
0xaf: {  	[dreg:$0x3] =	wrdreg s24  }
0xb0: {  	[dreg:$0x4] =	wrdreg $0xA2000  }
0xb1: {  	[dreg:$0x5] =	wrdreg $0x9  }
0xb2: {  	_ =	task.clear_ibuf [dreg:s7], $0x6FFFF;
	_ =	strace $0x90000049  }
0xb3: {  	s29 =	simm.s32 $0x9;
	_ =	strace $0x8000004B  }
0xb4: {  	_ =	swait.ge [sflag:s29], $0x1  }
0xb5: {  	[sflag:s29] =	ssyncadd.s32 $0xFFFFFFFF  }
0xb6: {  	_ =	strace $0x9000004B  }
0xb7: {  	_ =	sfence  }
0xb8: {  	s30 =	sld [smem:$0x0];
	_ =	sdelay $0x2  }
0xb9: {  	s31 =	sshll.u32 s1, $0xD;
	s1 =	sshrl.u32 s1, $0x2  }
0xba: {  	s3 =	sand.u32 $0x4000, s31;
	s1 =	sadd.s32 s1, s30  }
0xbb: {  	s0 =	sor.u32 s3, s0;
	s1 =	sshll.u32 s1, $0x11  }
0xbc: {  	s0 =	sor.u32 s1, s0  }
0xbd: {  	s0 =	sadd.s32 $0x8F2B, s0  }
0xbe: {  	[sflag:s0] =	ssyncadd.remote.s32 $0x1  }
0xbf: {  	_ =	sfence.sel $0xFFFF  }
0xc0: {  	[dreg:$0x0] =	wrdreg $0xFFFFFFFF;
	(pc) =	sbr.abs _section_cstart, $3  }
0xc1: {  	[dreg:$0x1] =	wrdreg $0xFFFFFFFF  }
0xc2: {  	_ =	task.clear_ibuf [dreg:s7], $0x2FFFF;
	_ =	strace $0x9FFFFFFF  }
0xc3: {  	(tm) =	ssettm $0x7FFFFFFF  }
tec
execute0_lowered:
.L_overlay_start_1:
0x0: {  	(tag) =	ssettag $0x1  }
0x1: {  	s0 =	rddreg [dreg:$0x0]  }
0x2: {  	s3 =	rddreg [dreg:$0x1];
	s20 =	stileid.u32  }
0x3: {  	s1 =	rddreg [dreg:$0x2];
	s2 =	simm.s32 $0x0;
	s6 =	smul.u32 $0x50000, s20  }
0x4: {  	s4 =	srdreg.scid;
	s21 =	simm.s32 $0x5;
	s16 =	smul.u32 $0x13C00, s20  }
0x5: {  	s28 =	simm.s32 $0x100;
	s29 =	simm.s32 $0x2;
	s18 =	smul.u32 $0x4F000, s20  }
0x6: {  	s30 =	simm.s32 $0x180;
	s31 =	simm.s32 $0x3;
	s19 =	smul.u32 $0xA800, s20  }
0x7: {  	[smem:$0x7FF] =	sst s2;
	s4 =	sand.u32 $0x1, s4;
	s20 =	smul.u32 $0xA8000, s20  }
0x8: {  	s7 =	sadd.s32 $0x1400, s3;
	s5 =	smul.u32 $0xA80000, s4;
	_ =	strace $0x8000004A  }
0x9: {  	[dreg:$0x4] =	wrdreg s7;
	s22 =	ssub.s32 $0x2, s4;
	s17 =	smul.u32 $0x62C000, s4  }
0xa: {  	s4 =	smul.u32 $0xA8000, s4;
	s23 =	sshrl.u32 s22, $0x1;
	s6 =	sshrl.u32 s6, $0x2  }
0xb: {  	s18 =	sshrl.u32 s18, $0x2;
	s5 =	sadd.s32 s5, s3;
	s3 =	sadd.s32 $0x1800, s3  }
0xc: {  	s6 =	sadd.s32 s6, s1;
	s16 =	sadd.s32 s17, s16;
	s25 =	sadd.s32 s18, s1  }
0xd: {  	s4 =	sadd.s32 s19, s4;
	[dreg:$0x5] =	wrdreg s3;
	s3 =	ssub.s32 s22, s23  }
0xe: {  	s24 =	sadd.s32 $0x2000, s6;
	s8 =	sadd.s32 $0x4000, s6;
	s9 =	sadd.s32 $0x6000, s6  }
0xf: {  	s10 =	sadd.s32 $0x8000, s6;
	s11 =	sadd.s32 $0xA000, s6;
	s12 =	sadd.s32 $0xC000, s6  }
0x10: {  	s13 =	sadd.s32 $0xE000, s6;
	s14 =	sadd.s32 $0x10000, s6;
	s15 =	sadd.s32 $0x12000, s6  }
0x11: {  	s26 =	sadd.s32 s20, s5;
	s4 =	sshrl.u32 s4, $0x3;
	s20 =	simm.s32 $0x8200  }
0x12: {  	s22 =	simm.s32 $0x200;
	s23 =	simm.s32 $0x4200;
	s25 =	sshrl.u32 s25, $0x3  }
0x13: {  	s5 =	simm.s32 $0x0;
	[dreg:$0x6] =	wrdreg s24;
	s3 =	smax.u32 s3, $0x1  }
0x14: {  	s18 =	sadd.s32 $0x1995200, s26;
	s24 =	simm.s32 $0x1;
	s26 =	simm.s32 $0x80  }
0x15: {  	[dreg:$0x7] =	wrdreg s3;
	s3 =	sadd.s32 s4, s0;
	s0 =	simm.s32 $0x4  }
.LBB2_1:
0x16: {  	[dreg:$0x8] =	wrdreg s5  }
0x17: {  	s4 =	rddreg [dreg:$0x4]  }
0x18: {  	[tilespmem:s20], [sflag:$0x5] =	stream.linear.gather [hbm4b:s4+s2], $0x2000, $0x38;
	[tilespmem:$0x1E200] =	vst v63  }
0x19: {  	_ =	swait.ge [sflag:s21], $0x2000  }
0x1a: {  	[sflag:s21] =	ssyncset.done $0x0  }
0x1b: {  	s17 =	simm.s32 $0x0;
	[sflag:s21] =	ssyncadd.s32 $0xFFFFE000  }
.LBB2_2:
0x1c: {  	[bflag:$0x0] =	sbarrier.arrive $0xFFFF  }
0x1d: {  	[spmem:s6] =	stream.linear.scatter [tilespmem:s20], [sflag:$0x5], $0x2000, $0x38;
	[tilespmem:$0x1E200] =	vst v63  }
0x1e: {  	_ =	swait.ge [sflag:s21], $0x2000  }
0x1f: {  	[sflag:s21] =	ssyncset.done $0x0  }
0x20: {  	s4 =	rddreg [dreg:$0x6];
	[sflag:s21] =	ssyncadd.s32 $0xFFFFE000  }
0x21: {  	[spmem:s4] =	stream.linear.scatter [tilespmem:s20], [sflag:$0x5], $0x2000, $0x38;
	[tilespmem:$0x1E200] =	vst v63  }
0x22: {  	_ =	swait.ge [sflag:s21], $0x2000  }
0x23: {  	[sflag:s21] =	ssyncset.done $0x0  }
0x24: {  	[sflag:s21] =	ssyncadd.s32 $0xFFFFE000  }
0x25: {  	[spmem:s8] =	stream.linear.scatter [tilespmem:s20], [sflag:$0x5], $0x2000, $0x38;
	[tilespmem:$0x1E200] =	vst v63  }
0x26: {  	_ =	swait.ge [sflag:s21], $0x2000  }
0x27: {  	[sflag:s21] =	ssyncset.done $0x0  }
0x28: {  	[sflag:s21] =	ssyncadd.s32 $0xFFFFE000  }
0x29: {  	[spmem:s9] =	stream.linear.scatter [tilespmem:s20], [sflag:$0x5], $0x2000, $0x38;
	[tilespmem:$0x1E200] =	vst v63  }
0x2a: {  	_ =	swait.ge [sflag:s21], $0x2000  }
0x2b: {  	[sflag:s21] =	ssyncset.done $0x0  }
0x2c: {  	[sflag:s21] =	ssyncadd.s32 $0xFFFFE000  }
0x2d: {  	[spmem:s10] =	stream.linear.scatter [tilespmem:s20], [sflag:$0x5], $0x2000, $0x38;
	[tilespmem:$0x1E200] =	vst v63  }
0x2e: {  	_ =	swait.ge [sflag:s21], $0x2000  }
0x2f: {  	[sflag:s21] =	ssyncset.done $0x0  }
0x30: {  	[sflag:s21] =	ssyncadd.s32 $0xFFFFE000  }
0x31: {  	[spmem:s11] =	stream.linear.scatter [tilespmem:s20], [sflag:$0x5], $0x2000, $0x38;
	[tilespmem:$0x1E200] =	vst v63  }
0x32: {  	_ =	swait.ge [sflag:s21], $0x2000  }
0x33: {  	[sflag:s21] =	ssyncset.done $0x0  }
0x34: {  	[sflag:s21] =	ssyncadd.s32 $0xFFFFE000  }
0x35: {  	[spmem:s12] =	stream.linear.scatter [tilespmem:s20], [sflag:$0x5], $0x2000, $0x38;
	[tilespmem:$0x1E200] =	vst v63  }
0x36: {  	_ =	swait.ge [sflag:s21], $0x2000  }
0x37: {  	[sflag:s21] =	ssyncset.done $0x0  }
0x38: {  	[sflag:s21] =	ssyncadd.s32 $0xFFFFE000  }
0x39: {  	[spmem:s13] =	stream.linear.scatter [tilespmem:s20], [sflag:$0x5], $0x2000, $0x38;
	[tilespmem:$0x1E200] =	vst v63  }
0x3a: {  	_ =	swait.ge [sflag:s21], $0x2000  }
0x3b: {  	[sflag:s21] =	ssyncset.done $0x0  }
0x3c: {  	[sflag:s21] =	ssyncadd.s32 $0xFFFFE000  }
0x3d: {  	[spmem:s14] =	stream.linear.scatter [tilespmem:s20], [sflag:$0x5], $0x2000, $0x38;
	[tilespmem:$0x1E200] =	vst v63  }
0x3e: {  	_ =	swait.ge [sflag:s21], $0x2000  }
0x3f: {  	[sflag:s21] =	ssyncset.done $0x0  }
0x40: {  	[sflag:s21] =	ssyncadd.s32 $0xFFFFE000  }
0x41: {  	[spmem:s15] =	stream.linear.scatter [tilespmem:s20], [sflag:$0x5], $0x2000, $0x38;
	[tilespmem:$0x1E200] =	vst v63  }
0x42: {  	_ =	swait.ge [sflag:s21], $0x2000  }
0x43: {  	s19 =	smul.u32 $0x4F00, s17;
	[sflag:s21] =	ssyncset.done $0x0  }
0x44: {  	[sflag:s21] =	ssyncadd.s32 $0xFFFFE000  }
0x45: {  	v0 =	vmov s19;
	s19 =	smov.u32 s3;
	s4 =	simm.s32 $0x0;
	[bflag:$0x0] =	sbarrier.arrive $0xFFFF  }
.LBB2_3:
0x46: {  	[tilespmem:s2], [sflag:$0x5] =	stream.linear.gather [hbm4b:s19+s2], $0x100, $0x38;
	[tilespmem:$0x1E200] =	vst v63  }
0x47: {  	_ =	swait.ge [sflag:s21], $0x100  }
0x48: {  	p0 =	seq.s32 s4, $0x0;
	[sflag:s21] =	ssyncset.done $0x0  }
0x49: {  	s5 =	simm.s32 @!p0 $0x3;
	[sflag:s21] =	ssyncadd.s32 $0xFFFFFF00  }
0x4a: {  	_ =	swait.ge @!p0 [sflag:s5], $0x4000  }
0x4b: {  	[sflag:s5] =	ssyncset.done @!p0 $0x0  }
0x4c: {  	[sflag:s5] =	ssyncadd.s32 @!p0 $0xFFFFC000;
	s5 =	sadd.s32 s4, s18  }
0x4d: {  	[tilespmem:s22], [sflag:$0x1] =	stream.linear.gather [hbm4b:s5+s2], $0x4000, $0x38;
	[tilespmem:$0x1E200] =	vst v63  }
0x4e: {  	v1 =	vld [tilespmem:$0x0]  }
0x4f: {  	v2 =	vld [tilespmem:$0x10]  }
0x50: {  	v6 =	vld [tilespmem:$0x30]  }
0x51: {  	v36 =	vld [tilespmem:$0x40]  }
0x52: {  	v8 =	vld [tilespmem:$0x50]  }
0x53: {  	v9 =	vld [tilespmem:$0x60]  }
0x54: {  	v41 =	vld [tilespmem:$0x70]  }
0x55: {  	v3 =	vsub.s32 v1, v0  }
0x56: {  	v1 =	vshrl.u32 v1, $0x1;
	v5 =	vshrl.u32 v2, $0x1;
	v2 =	vsub.s32 v2, v0  }
0x57: {  	v7 =	vsub.s32 v6, v0;
	v6 =	vshrl.u32 v6, $0x1;
	v39 =	vshrl.u32 v36, $0x1  }
0x58: {  	v42 =	vsub.s32 v8, v0;
	v8 =	vshrl.u32 v8, $0x1;
	v44 =	vsub.s32 v9, v0  }
0x59: {  	v45 =	vshrl.u32 v9, $0x1;
	v46 =	vshrl.u32 v41, $0x1;
	vm0 =	vlt.u32 v3, $0x4F00  }
0x5a: {  	v1 =	vand.u32 $0x7F, v1;
	v3 =	vshrl.u32 v3, $0x1;
	vm13 =	vlt.u32 v2, $0x4F00  }
0x5b: {  	v2 =	vshrl.u32 v2, $0x1;
	vm15 =	vlt.u32 v7, $0x4F00;
	v37 =	vand.u32 $0x7F, v6  }
0x5c: {  	v4 =	vld [tilespmem:$0x20];
	v38 =	vshrl.u32 v7, $0x1;
	v40 =	vand.u32 $0x7F, v39;
	vm5 =	vlt.u32 v42, $0x4F00  }
0x5d: {  	v43 =	vand.u32 $0x7F, v8;
	vm6 =	vlt.u32 v44, $0x4F00;
	v1 =	vor.u32 $0x2780, v1  }
0x5e: {  	v1 =	vsel vm0, v3, v1;
	v3 =	vand.u32 $0x7F, v5;
	v5 =	vsub.s32 v36, v0  }
0x5f: {  	v6 =	vor.u32 $0x2780, v40;
	v3 =	vor.u32 $0x2780, v3;
	vm4 =	vlt.u32 v5, $0x4F00  }
0x60: {  	v5 =	vshrl.u32 v5, $0x1;
	[tilespmem:$0x100] =	vst v1;
	v1 =	vshrl.u32 v42, $0x1;
	v2 =	vsel vm13, v2, v3  }
0x61: {  	v3 =	vsub.s32 v4, v0;
	v4 =	vshrl.u32 v4, $0x1;
	v5 =	vsel vm4, v5, v6  }
0x62: {  	vm14 =	vlt.u32 v3, $0x4F00;
	v4 =	vand.u32 $0x7F, v4;
	[tilespmem:$0x110] =	vst v2;
	v2 =	vor.u32 $0x2780, v43  }
0x63: {  	v3 =	vshrl.u32 v3, $0x1;
	v4 =	vor.u32 $0x2780, v4;
	v1 =	vsel vm5, v1, v2  }
0x64: {  	[tilespmem:$0x140] =	vst v5;
	v2 =	vand.u32 $0x7F, v45;
	v3 =	vsel vm14, v3, v4;
	v4 =	vor.u32 $0x2780, v37  }
0x65: {  	v2 =	vor.u32 $0x2780, v2;
	v4 =	vsel vm15, v38, v4;
	[tilespmem:$0x120] =	vst v3;
	v3 =	vshrl.u32 v44, $0x1  }
0x66: {  	[tilespmem:$0x130] =	vst v4;
	v2 =	vsel vm6, v3, v2;
	v3 =	vsub.s32 v41, v0;
	v4 =	vand.u32 $0x7F, v46  }
0x67: {  	[tilespmem:$0x150] =	vst v1;
	vm7 =	vlt.u32 v3, $0x4F00;
	v1 =	vshrl.u32 v3, $0x1;
	v3 =	vor.u32 $0x2780, v4  }
0x68: {  	[tilespmem:$0x160] =	vst v2;
	v1 =	vsel vm7, v1, v3  }
0x69: {  	s7 =	simm.s32 @!p0 $0x4;
	[tilespmem:$0x170] =	vst v1  }
0x6a: {  	_ =	swait.ge @!p0 [sflag:s7], $0x4000  }
0x6b: {  	[sflag:s7] =	ssyncset.done @!p0 $0x0  }
0x6c: {  	s5 =	sadd.s32 $0x800, s5;
	[sflag:s7] =	ssyncadd.s32 @!p0 $0xFFFFC000  }
0x6d: {  	[tilespmem:s23], [sflag:$0x2] =	stream.linear.gather [hbm4b:s5+s2], $0x4000, $0x38;
	[tilespmem:$0x1E200] =	vst v63  }
0x6e: {  	v1 =	vld [tilespmem:$0x80]  }
0x6f: {  	v2 =	vld [tilespmem:$0x90]  }
0x70: {  	v47 =	vld [tilespmem:$0xA0]  }
0x71: {  	v49 =	vld [tilespmem:$0xB0]  }
0x72: {  	v50 =	vld [tilespmem:$0xC0]  }
0x73: {  	v52 =	vld [tilespmem:$0xD0]  }
0x74: {  	v56 =	vld [tilespmem:$0xE0]  }
0x75: {  	v58 =	vld [tilespmem:$0xF0];
	v3 =	vsub.s32 v1, v0  }
0x76: {  	v1 =	vshrl.u32 v1, $0x1;
	v48 =	vshrl.u32 v2, $0x1;
	v2 =	vsub.s32 v2, v0  }
0x77: {  	v4 =	vshrl.u32 v47, $0x1;
	v51 =	vsub.s32 v49, v0;
	v6 =	vshrl.u32 v49, $0x1  }
0x78: {  	v55 =	vshrl.u32 v50, $0x1;
	v5 =	vsub.s32 v50, v0;
	v59 =	vsub.s32 v52, v0  }
0x79: {  	v8 =	vshrl.u32 v52, $0x1;
	v61 =	vsub.s32 v56, v0;
	v62 =	vshrl.u32 v56, $0x1  }
0x7a: {  	v63 =	vshrl.u32 v58, $0x1;
	vm8 =	vlt.u32 v3, $0x4F00;
	v1 =	vand.u32 $0x7F, v1  }
0x7b: {  	v3 =	vshrl.u32 v3, $0x1;
	vm9 =	vlt.u32 v2, $0x4F00;
	v2 =	vshrl.u32 v2, $0x1  }
0x7c: {  	v4 =	vand.u32 $0x7F, v4;
	vm11 =	vlt.u32 v51, $0x4F00;
	v53 =	vand.u32 $0x7F, v6  }
0x7d: {  	v54 =	vshrl.u32 v51, $0x1;
	v57 =	vand.u32 $0x7F, v55;
	vm12 =	vlt.u32 v5, $0x4F00  }
0x7e: {  	v5 =	vshrl.u32 v5, $0x1;
	vm13 =	vlt.u32 v59, $0x4F00;
	v1 =	vor.u32 $0x2780, v1  }
0x7f: {  	v60 =	vand.u32 $0x7F, v8;
	v1 =	vsel vm8, v3, v1;
	v3 =	vand.u32 $0x7F, v48  }
0x80: {  	vm14 =	vlt.u32 v61, $0x4F00;
	v4 =	vor.u32 $0x2780, v4;
	v3 =	vor.u32 $0x2780, v3  }
0x81: {  	v6 =	vor.u32 $0x2780, v57;
	v2 =	vsel vm9, v2, v3;
	v3 =	vsub.s32 v47, v0  }
0x82: {  	v5 =	vsel vm12, v5, v6;
	[tilespmem:$0x180] =	vst v1;
	vm10 =	vlt.u32 v3, $0x4F00;
	v3 =	vshrl.u32 v3, $0x1  }
0x83: {  	v1 =	vshrl.u32 v59, $0x1;
	[tilespmem:$0x190] =	vst v2;
	v2 =	vor.u32 $0x2780, v60;
	v3 =	vsel vm10, v3, v4  }
0x84: {  	[tilespmem:$0x1C0] =	vst v5;
	v4 =	vor.u32 $0x2780, v53;
	v1 =	vsel vm13, v1, v2;
	v2 =	vand.u32 $0x7F, v62  }
0x85: {  	v4 =	vsel vm11, v54, v4;
	[tilespmem:$0x1A0] =	vst v3;
	v3 =	vshrl.u32 v61, $0x1;
	v2 =	vor.u32 $0x2780, v2  }
0x86: {  	[tilespmem:$0x1B0] =	vst v4;
	v2 =	vsel vm14, v3, v2;
	v3 =	vsub.s32 v58, v0;
	v4 =	vand.u32 $0x7F, v63  }
0x87: {  	[tilespmem:$0x1D0] =	vst v1;
	vm15 =	vlt.u32 v3, $0x4F00;
	v1 =	vshrl.u32 v3, $0x1;
	v3 =	vor.u32 $0x2780, v4  }
0x88: {  	[tilespmem:$0x1E0] =	vst v2;
	v1 =	vsel vm15, v1, v3  }
0x89: {  	[tilespmem:$0x1F0] =	vst v1  }
0x8a: {  	_ =	swait.ge [sflag:s24], $0x4000  }
0x8b: {  	s4 =	sadd.s32 $0x1000, s4;
	[sflag:s24] =	ssyncset.done $0x0  }
0x8c: {  	p0 =	sne.s32 s4, $0xA8000;
	[sflag:s24] =	ssyncadd.s32 $0xFFFFC000  }
0x8d: {  	[spmem:s1] =	stream.indirect.scatter.add.f32 [tilespmem:s22], [sflag:$0x3], $0x80, s28, s26, $0xb8;
	[tilespmem:$0x1E200] =	vst v63  }
.Ltmp0:
0x8e: {  	_ = 	snop;
	(pc) =	sbr.rel @p0 .LBB2_3-.Ltmp0, $4  }
0x8f: {  	_ =	swait.ge [sflag:s29], $0x4000  }
0x90: {  	[sflag:s29] =	ssyncset.done $0x0  }
0x91: {  	s19 =	sadd.s32 $0x20, s19;
	[sflag:s29] =	ssyncadd.s32 $0xFFFFC000  }
0x92: {  	[spmem:s1] =	stream.indirect.scatter.add.f32 [tilespmem:s23], [sflag:$0x4], $0x80, s30, s26, $0xb8;
	[tilespmem:$0x1E200] =	vst v63  }
0x93: {  	_ =	swait.ge [sflag:s31], $0x4000  }
0x94: {  	[sflag:s31] =	ssyncset.done $0x0  }
0x95: {  	[sflag:s31] =	ssyncadd.s32 $0xFFFFC000  }
0x96: {  	_ =	swait.ge [sflag:s0], $0x4000  }
0x97: {  	s4 =	smul.u32 $0x13C000, s17;
	[sflag:s0] =	ssyncset.done $0x0  }
0x98: {  	s5 =	stileid.u32;
	s17 =	sadd.s32 $0x1, s17;
	[sflag:s0] =	ssyncadd.s32 $0xFFFFC000  }
0x99: {  	s5 =	sshll.u32 s5, $0x6;
	s4 =	sadd.s32 s16, s4;
	[bflag:$0x0] =	sbarrier.arrive $0xFFFF  }
0x9a: {  	p0 =	sne.s32 s17, $0x5;
	s4 =	sshrl.u32 s4, $0x3;
	s7 =	rddreg [dreg:$0x5]  }
.Ltmp1:
0x9b: {  	s5 =	sor.u32 $0x1C05, s5;
	s4 =	sadd.s32 s7, s4;
	(pc) =	sbr.rel @p0 .LBB2_2-.Ltmp1, $4  }
0x9c: {  	[hbm:s4], [sflag:s5] =	dma.local [spmem:s25], $0x2780  }
0x9d: {  	_ =	swait.ge [sflag:s21], $0x2780  }
0x9e: {  	[sflag:s21] =	ssyncset.done $0x0  }
0x9f: {  	[sflag:s21] =	ssyncadd.s32 $0xFFFFD880  }
0xa0: {  	s5 =	rddreg [dreg:$0x8]  }
0xa1: {  	s4 =	rddreg [dreg:$0x7];
	s5 =	sadd.s32 $0x1, s5  }
0xa2: {  	p0 =	sne.s32 s5, s4  }
.Ltmp2:
0xa3: {  	_ = 	snop;
	(pc) =	sbr.rel @p0 .LBB2_1-.Ltmp2, $1  }
0xa4: {  	_ =	sdelay $0x3  }
0xa5: {  	_ =	sfence.sel $0x180000  }
0xa6: {  	[bflag:$0x0] =	sbarrier.arrive $0xFFFF  }
0xa7: {  	_ =	strace $0x9000004A  }
0xa8: {  	s0 =	stileid.u32;
	[bflag:$0x2] =	sbarrier.arrive $0xFFFF  }
0xa9: {  	p0 =	sne.s32 s0, $0x0;
	s0 =	rddreg [dreg:$0x3]  }
0xaa: {  	s0 =	sadd.s32 @!p0 $0x100000, s0  }
0xab: {  	[sflag:s0] =	ssyncadd.tile.s32 @!p0 $0x1;
	_ =	shalt  }
.Lfunc_end2:
_tile_overlayer_lowered:
.L_overlay_start_2:
0xac: {  	(tag) =	ssettag $0x2  }
0xad: {  	s0 =	rddreg [dreg:$0x0];
	s2 =	stileid.u32  }
0xae: {  	s1 =	rddreg [dreg:$0x1];
	p0 =	sne.s32 s2, $0x0  }
0xaf: {  	s3 =	rddreg [dreg:$0x2];
	[bflag:$0x3] =	sbarrier.arrive $0xFFFF;
	s2 =	simm.s32 @!p0 $0x1C05  }
0xb0: {  	[timem:s3], [sflag:s2] =	dma.local @!p0 [hbm:s0], s1  }
0xb1: {  	s0 =	simm.s32 @!p0 $0x5  }
0xb2: {  	_ =	swait.ge @!p0 [sflag:s0], s1  }
0xb3: {  	s1 =	ssub.s32 @!p0 $0x0, s1;
	[sflag:s0] =	ssyncset.done @!p0 $0x0  }
0xb4: {  	[sflag:s0] =	ssyncadd.s32 @!p0 s1  }
0xb5: {  	[bflag:$0x3] =	sbarrier.arrive $0xFFFF  }
0xb6: {  	_ =	shalt  }

// kernel: kernel.7.cloned.1.call-start
scs
__scs_entry_jumppad:
0x0: {  	(pc) =	sbr.rel $0x88, $3  }
0x1: {  	(tag) =	ssettag $0x0;
	lr =	simm.s32 $0x1  }
0x2: {  	[smem:$0x3F9D] =	sst lr;
	_ =	strace $0xD0000000  }
0x3: {  	_ = 	snop  }
0x4: {  	_ = 	snop  }
0x5: {  	_ = 	snop  }
0x6: {  	_ = 	snop  }
0x7: {  	_ = 	snop  }
__scs_overlays_trampoline_lowered:
0x8: {  	[smem:$0x3FAC] =	sst s0  }
0x9: {  	[smem:$0x3FAD] =	sst s1  }
0xa: {  	[smem:$0x3FAE] =	sst s2  }
0xb: {  	[smem:$0x3FAF] =	sst s3  }
0xc: {  	[smem:$0x3FB0] =	sst s4  }
0xd: {  	[smem:$0x3FB1] =	sst s5  }
0xe: {  	[smem:$0x3FB2] =	sst s6  }
0xf: {  	[smem:$0x3FB3] =	sst s7  }
0x10: {  	[smem:$0x3FB4] =	sst s8  }
0x11: {  	[smem:$0x3FB5] =	sst s9;
	s0 =	simm.s32 @!p0 $0x0  }
0x12: {  	s1 =	sld [smem:$0x3F9B];
	s0 =	simm.s32 @p0 $0x1  }
0x13: {  	[smem:$0x3FB6] =	sst s0;
	s0 =	simm.s32 @!p1 $0x0  }
0x14: {  	s2 =	sld [smem:$0x3F9A];
	s0 =	simm.s32 @p1 $0x1  }
0x15: {  	[smem:$0x3FB7] =	sst s0;
	s0 =	simm.s32 @!p2 $0x0  }
0x16: {  	s3 =	sld [smem:$0x3FDB];
	s0 =	simm.s32 @p2 $0x1  }
0x17: {  	s4 =	simm.s32 $0x1BF5;
	[smem:$0x3FB9] =	sst s0  }
0x18: {  	s0 =	sld [smem:$0x3F9C];
	_ =	swait.ge [sflag:s4], $0x0  }
0x19: {  	s7 =	sld [smem:$0x3F9D]  }
0x1a: {  	s8 =	sadd.s32 $0xFFFFE003, lr  }
0x1b: {  	s9 =	sadd.s32 $0xFFFFFEF7, lr;
	s5 =	simm.s32 $0xFFFFFFFF;
	p2 =	slt.u32 s8, $0xFFFFF086  }
0x1c: {  	p1 =	slt.u32 s9, $0xF7A;
	s5 =	simm.s32 @!p2 $0x0  }
0x1d: {  	s5 =	simm.s32 @p1 $0x1;
	p0 =	seq.s32 s7, s2  }
0x1e: {  	s7 =	smul.u32 @!p0 $0xF7A, s2;
	p2 =	seq.s32 @!p0 s5, $0x0  }
0x1f: {  	s9 =	smul.u32 $0xF7A, s1;
	s8 =	simm.s32 @!p0 $0x1BF5;
	p2 =	por !p2, p0  }
0x20: {  	[sflag:s8] =	ssyncset.s32 @!p0 $0xFFFFF086;
	s6 =	sadd.s32 @!p0 s3, s7;
	s7 =	simm.s32 @!p0 $0x108  }
0x21: {  	s3 =	sadd.s32 s3, s9;
	s6 =	sadd.s32 @!p0 $0x88, s6;
	s7 =	simm.s32 @p2 $0x1082  }
0x22: {  	[simem:s7], [sflag:s8] =	dma.local @!p0 [hbm:s6], $0xF7A  }
0x23: {  	s9 =	sor.u32 $0xD0000000, s2;
	s6 =	simm.s32 $0x108;
	_ =	swait.ge @!p0 [sflag:s8], $0x0  }
0x24: {  	s3 =	sadd.s32 $0x88, s3;
	s6 =	simm.s32 @!p1 $0x1082;
	[sflag:s4] =	ssyncset.s32 $0xFFFFF086  }
0x25: {  	[simem:s6], [sflag:s4] =	dma.local [hbm:s3], $0xF7A  }
0x26: {  	[smem:$0x3F9D] =	sst s1;
	(tag) =	ssettag s2;
	_ =	strace s9  }
0x27: {  	s1 =	sld [smem:$0x3FAD]  }
0x28: {  	s2 =	sld [smem:$0x3FAE]  }
0x29: {  	s4 =	sld [smem:$0x3FB0]  }
0x2a: {  	p0 =	seq.s32 s5, $0x0;
	s5 =	sld [smem:$0x3FB1]  }
0x2b: {  	s6 =	sld [smem:$0x3FB2]  }
0x2c: {  	s7 =	sld [smem:$0x3FB3]  }
0x2d: {  	s3 =	simm.s32 $0x108;
	s8 =	sld [smem:$0x3FB4]  }
0x2e: {  	s3 =	simm.s32 @!p0 $0x1082;
	s9 =	sld [smem:$0x3FB5]  }
0x2f: {  	lr =	sadd.s32 s0, s3;
	s0 =	sld [smem:$0x3FAC]  }
0x30: {  	s3 =	sld [smem:$0x3FAF]  }
0x31: {  	[smem:$0x3FB8] =	sst s10  }
0x32: {  	s10 =	sld [smem:$0x3FB6];
	_ =	sdelay $0x3  }
0x33: {  	p0 =	seq.s32 s10, $0x1;
	s10 =	sld [smem:$0x3FB8];
	_ =	sdelay $0x3  }
0x34: {  	[smem:$0x3FB8] =	sst s10  }
0x35: {  	s10 =	sld [smem:$0x3FB7];
	_ =	sdelay $0x3  }
0x36: {  	p1 =	seq.s32 s10, $0x1;
	s10 =	sld [smem:$0x3FB8];
	_ =	sdelay $0x3  }
0x37: {  	[smem:$0x3FB8] =	sst s10  }
0x38: {  	s10 =	sld [smem:$0x3FB9]  }
0x39: {  	_ = 	snop;
	(pc) =	sbr.ind lr, $3  }
0x3a: {  	_ = 	snop  }
0x3b: {  	_ = 	snop  }
0x3c: {  	p2 =	seq.s32 s10, $0x1;
	s10 =	sld [smem:$0x3FB8]  }
0x3d: {  	_ =	shalt  }
0x3e: {  	_ =	shalt  }
0x3f: {  	_ =	shalt  }
0x40: {  	_ =	shalt  }
0x41: {  	_ =	shalt  }
0x42: {  	_ =	shalt  }
0x43: {  	_ =	shalt  }
0x44: {  	_ =	shalt  }
0x45: {  	_ =	shalt  }
0x46: {  	_ =	shalt  }
0x47: {  	_ =	shalt  }
0x48: {  	_ =	shalt  }
0x49: {  	_ =	shalt  }
0x4a: {  	_ =	shalt  }
0x4b: {  	_ =	shalt  }
0x4c: {  	_ =	shalt  }
0x4d: {  	_ =	shalt  }
0x4e: {  	_ =	shalt  }
0x4f: {  	_ =	shalt  }
0x50: {  	_ =	shalt  }
0x51: {  	_ =	shalt  }
0x52: {  	_ =	shalt  }
0x53: {  	_ =	shalt  }
0x54: {  	_ =	shalt  }
0x55: {  	_ =	shalt  }
0x56: {  	_ =	shalt  }
0x57: {  	_ =	shalt  }
0x58: {  	_ =	shalt  }
0x59: {  	_ =	shalt  }
0x5a: {  	_ =	shalt  }
0x5b: {  	_ =	shalt  }
0x5c: {  	_ =	shalt  }
0x5d: {  	_ =	shalt  }
0x5e: {  	_ =	shalt  }
0x5f: {  	_ =	shalt  }
0x60: {  	_ =	shalt  }
0x61: {  	_ =	shalt  }
0x62: {  	_ =	shalt  }
0x63: {  	_ =	shalt  }
0x64: {  	_ =	shalt  }
0x65: {  	_ =	shalt  }
0x66: {  	_ =	shalt  }
0x67: {  	_ =	shalt  }
0x68: {  	_ =	shalt  }
0x69: {  	_ =	shalt  }
0x6a: {  	_ =	shalt  }
0x6b: {  	_ =	shalt  }
0x6c: {  	_ =	shalt  }
0x6d: {  	_ =	shalt  }
0x6e: {  	_ =	shalt  }
0x6f: {  	_ =	shalt  }
0x70: {  	_ =	shalt  }
0x71: {  	_ =	shalt  }
0x72: {  	_ =	shalt  }
0x73: {  	_ =	shalt  }
0x74: {  	_ =	shalt  }
0x75: {  	_ =	shalt  }
0x76: {  	_ =	shalt  }
0x77: {  	_ =	shalt  }
0x78: {  	_ =	shalt  }
0x79: {  	_ =	shalt  }
0x7a: {  	_ =	shalt  }
0x7b: {  	_ =	shalt  }
0x7c: {  	_ =	shalt  }
0x7d: {  	_ =	shalt  }
0x7e: {  	_ =	shalt  }
0x7f: {  	_ =	shalt  }
0x80: {  	_ =	shalt  }
0x81: {  	_ =	shalt  }
0x82: {  	_ =	shalt  }
0x83: {  	_ =	shalt  }
0x84: {  	_ =	shalt  }
0x85: {  	_ =	shalt  }
0x86: {  	_ =	shalt  }
0x87: {  	_ =	shalt  }
.Lfunc_end0:
.L_simem_size_0:
called_computation_lowered:
.L_overlay_start_0:
0x88: {  	s2 =	sld [smem:$0x3FD9]  }
0x89: {  	s3 =	sld [smem:$0x3FFE];
	_ =	sdelay $0x1  }
0x8a: {  	s1 =	srdreg.scid  }
0x8b: {  	s0 =	sand.u32 $0x1, s1  }
0x8c: {  	s16 =	sshll.u32 s0, $0xA;
	s2 =	sadd.s32 s3, s2  }
0x8d: {  	s2 =	sadd.s32 s2, s16  }
0x8e: {  	[smem:$0x3FC4] =	sst s2  }
0x8f: {  	_ = 	snop  }
0x90: {  	(tm) =	ssettm $0x1  }
0x91: {  	s17 =	sld [smem:$0x3FFB];
	_ =	sdelay $0x3  }
0x92: {  	_ =	strace s17  }
0x93: {  	s2 =	sld [smem:$0x3FFC];
	_ =	sdelay $0x3  }
0x94: {  	_ =	strace s2  }
0x95: {  	s2 =	sld [smem:$0x3FFD];
	_ =	sdelay $0x3  }
0x96: {  	_ =	strace s2  }
0x97: {  	_ =	strace $0x8FFFFFFF  }
0x98: {  	s18 =	sld [smem:$0x3FDB];
	_ =	sdelay $0x1  }
0x99: {  	s19 =	simm.s32 $_scs_section_size  }
0x9a: {  	s4 =	simm.s32 $_size__tile_overlayer_lowered;
	s5 =	simm.s32 $_tile_overlayer_lowered  }
0x9b: {  	s22 =	simm.s32 $0x1BFF;
	s21 =	sshll.u32 s5, $0x1;
	s2 =	sadd.s32 s19, s18  }
0x9c: {  	s6 =	simm.s32 $0x0;
	s20 =	sshll.u32 s4, $0x1;
	s4 =	sadd.s32 s21, s2  }
0x9d: {  	[timem:s6], [sflag:s22] =	dma.local [hbm:s4], s20  }
0x9e: {  	_ =	swait.ge [sflag:s22], s20  }
0x9f: {  	s3 =	ssub.s32 $0x0, s20;
	[sflag:s22] =	ssyncset.done $0x0  }
0xa0: {  	[sflag:s22] =	ssyncadd.s32 s3;
	_ =	sdelay $0x1  }
0xa1: {  	s23 =	simm.s32 $0x1B8B  }
0xa2: {  	_ =	swait.ge [sflag:s23], $0x1  }
0xa3: {  	[sflag:s23] =	ssyncset.done $0x0  }
0xa4: {  	s25 =	simm.s32 $0x1B8E;
	s24 =	sld [smem:$0x3FFE];
	[sflag:s23] =	ssyncadd.s32 $0xFFFFFFFF  }
0xa5: {  	s26 =	simm.s32 $execute0_lowered;
	[smem:$0x3FD2] =	sst s25  }
0xa6: {  	s4 =	sshll.u32 s26, $0x1;
	_ =	strace $0x80000046;
	[dreg:$0x1] =	wrdreg $0xFFFFFFFF  }
0xa7: {  	s28 =	simm.s32 $_size_execute0_lowered;
	s2 =	sadd.s32 s2, s4;
	[dreg:$0x0] =	wrdreg $0x0  }
0xa8: {  	s4 =	sshll.u32 s28, $0x1;
	[dreg:$0x2] =	wrdreg s2  }
0xa9: {  	[dreg:$0x3] =	wrdreg s4  }
0xaa: {  	[dreg:$0x4] =	wrdreg $0xC0  }
0xab: {  	_ =	task [dreg:s6], $0x5FFFF  }
0xac: {  	[dreg:$0x1] =	wrdreg $0xFFFFFFFF  }
0xad: {  	[dreg:$0x0] =	wrdreg $0x60  }
0xae: {  	[dreg:$0x2] =	wrdreg s24  }
0xaf: {  	[dreg:$0x3] =	wrdreg $0x9  }
0xb0: {  	_ =	task.clear_ibuf [dreg:s6], $0x4FFFF;
	_ =	strace $0x90000046  }
0xb1: {  	s29 =	simm.s32 $0x9;
	_ =	strace $0x80000048  }
0xb2: {  	_ =	swait.ge [sflag:s29], $0x1  }
0xb3: {  	[sflag:s29] =	ssyncadd.s32 $0xFFFFFFFF  }
0xb4: {  	_ =	strace $0x90000048  }
0xb5: {  	_ =	sfence  }
0xb6: {  	s30 =	sld [smem:$0x0];
	_ =	sdelay $0x2  }
0xb7: {  	s31 =	sshll.u32 s1, $0xD;
	s1 =	sshrl.u32 s1, $0x2  }
0xb8: {  	s3 =	sand.u32 $0x4000, s31;
	s1 =	sadd.s32 s1, s30  }
0xb9: {  	s0 =	sor.u32 s3, s0;
	s1 =	sshll.u32 s1, $0x11  }
0xba: {  	s0 =	sor.u32 s1, s0  }
0xbb: {  	s0 =	sadd.s32 $0x8F2B, s0  }
0xbc: {  	[sflag:s0] =	ssyncadd.remote.s32 $0x1  }
0xbd: {  	_ =	sfence.sel $0xFFFF  }
0xbe: {  	[dreg:$0x0] =	wrdreg $0xFFFFFFFF;
	(pc) =	sbr.abs _section_cstart, $3  }
0xbf: {  	[dreg:$0x1] =	wrdreg $0xFFFFFFFF  }
0xc0: {  	_ =	task.clear_ibuf [dreg:s6], $0x2FFFF;
	_ =	strace $0x9FFFFFFF  }
0xc1: {  	(tm) =	ssettm $0x7FFFFFFF  }
tec
execute0_lowered:
.L_overlay_start_1:
0x0: {  	(tag) =	ssettag $0x1  }
0x1: {  	s0 =	rddreg [dreg:$0x0];
	s1 =	simm.s32 $0x0;
	s2 =	srdreg.scid  }
0x2: {  	s21 =	stileid.u32;
	s14 =	simm.s32 $0x300;
	s15 =	simm.s32 $0x4300  }
0x3: {  	s16 =	simm.s32 $0x100;
	s17 =	simm.s32 $0x8300;
	s18 =	simm.s32 $0x180  }
0x4: {  	s19 =	simm.s32 $0xC300;
	s20 =	simm.s32 $0x200;
	s28 =	simm.s32 $0x4  }
0x5: {  	s29 =	simm.s32 $0x0;
	[smem:$0x7FF] =	sst s1;
	s3 =	sadd.s32 $0x187E00, s0  }
0x6: {  	s11 =	sadd.s32 $0x1400, s0;
	s0 =	sadd.s32 $0x495200, s0;
	s12 =	smul.u32 $0xA800, s21  }
0x7: {  	s8 =	sand.u32 $0x1, s2;
	s26 =	smul.u32 $0xA8000, s21;
	_ =	strace $0x80000047  }
0x8: {  	s4 =	ssub.s32 $0x2, s8;
	s5 =	sshll.u32 s8, $0x4;
	s10 =	smul.u32 $0xA8000, s8  }
0x9: {  	s13 =	smul.u32 $0xA80000, s8;
	s6 =	sshrl.u32 s4, $0x1;
	s5 =	sor.u32 s21, s5  }
0xa: {  	s21 =	simm.s32 $0x10300;
	s4 =	ssub.s32 s4, s6;
	s22 =	smul.u32 $0xA800, s5  }
0xb: {  	s7 =	smul.u32 $0xA8000, s5;
	s10 =	sadd.s32 s12, s10;
	s4 =	smax.u32 s4, $0x1  }
0xc: {  	s12 =	sor.u32 $0x300, s10;
	s30 =	sor.u32 $0x480, s10;
	s9 =	sor.u32 $0x180, s22  }
0xd: {  	s23 =	sshrl.u32 s22, $0x3;
	s7 =	sadd.s32 s0, s7;
	s12 =	sshrl.u32 s12, $0x3  }
0xe: {  	s31 =	sshrl.u32 s30, $0x3;
	s22 =	simm.s32 $0x280;
	s5 =	sadd.s32 s11, s23  }
0xf: {  	s24 =	sshrl.u32 s9, $0x3;
	s25 =	sshll.u32 s9, $0x4;
	s10 =	sadd.s32 s12, s11  }
0x10: {  	s12 =	simm.s32 $0x5;
	s23 =	simm.s32 $0x14300;
	s6 =	sadd.s32 s11, s24  }
0x11: {  	s8 =	sadd.s32 s0, s25;
	s0 =	sadd.s32 s13, s0;
	s11 =	sadd.s32 s31, s11  }
0x12: {  	s13 =	simm.s32 $0x80;
	s24 =	simm.s32 $0x1;
	s0 =	sadd.s32 s26, s0  }
0x13: {  	s25 =	simm.s32 $0x2;
	s26 =	simm.s32 $0x3;
	s9 =	sadd.s32 $0x3000, s0  }
.LBB2_1:
0x14: {  	[tilespmem:s1], [sflag:$0x5] =	stream.linear.gather [hbm4b:s5+s1], $0x180, $0x38;
	[tilespmem:$0x18300] =	vst v63  }
0x15: {  	_ =	swait.ge [sflag:s12], $0x180  }
0x16: {  	[sflag:s12] =	ssyncset.done $0x0  }
0x17: {  	[sflag:s12] =	ssyncadd.s32 $0xFFFFFE80  }
0x18: {  	[tilespmem:s14], [sflag:$0x1] =	stream.indirect.gather [hbm4b:s3+s13], $0x80, s1, s13, $0xb8;
	[tilespmem:$0x18300] =	vst v63  }
0x19: {  	_ = 	snop  }
0x1a: {  	[tilespmem:s15], [sflag:$0x1] =	stream.indirect.gather [hbm4b:s3+s13], $0x80, s13, s13, $0xb8;
	[tilespmem:$0x18300] =	vst v63  }
0x1b: {  	_ = 	snop  }
0x1c: {  	[tilespmem:s17], [sflag:$0x1] =	stream.indirect.gather [hbm4b:s3+s13], $0x80, s16, s13, $0xb8;
	[tilespmem:$0x18300] =	vst v63  }
0x1d: {  	_ = 	snop  }
0x1e: {  	[tilespmem:s18], [sflag:$0x5] =	stream.linear.gather [hbm4b:s6+s1], $0x180, $0x38;
	[tilespmem:$0x18300] =	vst v63  }
0x1f: {  	_ =	swait.ge [sflag:s12], $0x180  }
0x20: {  	[sflag:s12] =	ssyncset.done $0x0  }
0x21: {  	[sflag:s12] =	ssyncadd.s32 $0xFFFFFE80  }
0x22: {  	[tilespmem:s19], [sflag:$0x2] =	stream.indirect.gather [hbm4b:s3+s13], $0x80, s18, s13, $0xb8;
	[tilespmem:$0x18300] =	vst v63  }
0x23: {  	_ = 	snop  }
0x24: {  	[tilespmem:s21], [sflag:$0x2] =	stream.indirect.gather [hbm4b:s3+s13], $0x80, s20, s13, $0xb8;
	[tilespmem:$0x18300] =	vst v63  }
0x25: {  	_ = 	snop  }
0x26: {  	[tilespmem:s23], [sflag:$0x2] =	stream.indirect.gather [hbm4b:s3+s13], $0x80, s22, s13, $0xb8;
	[tilespmem:$0x18300] =	vst v63  }
0x27: {  	_ =	swait.ge [sflag:s24], $0x4000  }
0x28: {  	[sflag:s24] =	ssyncset.done $0x0  }
0x29: {  	[sflag:s24] =	ssyncadd.s32 $0xFFFFC000  }
0x2a: {  	_ =	swait.ge [sflag:s24], $0x4000  }
0x2b: {  	[sflag:s24] =	ssyncset.done $0x0  }
0x2c: {  	[sflag:s24] =	ssyncadd.s32 $0xFFFFC000  }
0x2d: {  	_ =	swait.ge [sflag:s24], $0x4000  }
0x2e: {  	[sflag:s24] =	ssyncset.done $0x0  }
0x2f: {  	[sflag:s24] =	ssyncadd.s32 $0xFFFFC000  }
0x30: {  	[hbm4b:s7+s1] =	stream.linear.scatter [tilespmem:s14], [sflag:$0x3], $0xC000, $0x38;
	[tilespmem:$0x18300] =	vst v63  }
0x31: {  	_ =	swait.ge [sflag:s25], $0x4000  }
0x32: {  	[sflag:s25] =	ssyncset.done $0x0  }
0x33: {  	[sflag:s25] =	ssyncadd.s32 $0xFFFFC000  }
0x34: {  	_ =	swait.ge [sflag:s25], $0x4000  }
0x35: {  	[sflag:s25] =	ssyncset.done $0x0  }
0x36: {  	[sflag:s25] =	ssyncadd.s32 $0xFFFFC000  }
0x37: {  	_ =	swait.ge [sflag:s25], $0x4000  }
0x38: {  	[sflag:s25] =	ssyncset.done $0x0  }
0x39: {  	[sflag:s25] =	ssyncadd.s32 $0xFFFFC000  }
0x3a: {  	[hbm4b:s8+s1] =	stream.linear.scatter [tilespmem:s19], [sflag:$0x4], $0xC000, $0x38;
	[tilespmem:$0x18300] =	vst v63  }
0x3b: {  	s0 =	sadd.s32 $0x0, s10  }
0x3c: {  	[tilespmem:s1], [sflag:$0x5] =	stream.linear.gather [hbm4b:s0+s1], $0x180, $0x38;
	[tilespmem:$0x18300] =	vst v63  }
0x3d: {  	_ =	swait.ge [sflag:s12], $0x180  }
0x3e: {  	[sflag:s12] =	ssyncset.done $0x0  }
0x3f: {  	[sflag:s12] =	ssyncadd.s32 $0xFFFFFE80  }
0x40: {  	_ =	swait.ge [sflag:s26], $0xC000  }
0x41: {  	[sflag:s26] =	ssyncset.done $0x0  }
0x42: {  	[sflag:s26] =	ssyncadd.s32 $0xFFFF4000  }
0x43: {  	[tilespmem:s14], [sflag:$0x1] =	stream.indirect.gather [hbm4b:s3+s13], $0x80, s1, s13, $0xb8;
	[tilespmem:$0x18300] =	vst v63  }
0x44: {  	_ = 	snop  }
0x45: {  	[tilespmem:s15], [sflag:$0x1] =	stream.indirect.gather [hbm4b:s3+s13], $0x80, s13, s13, $0xb8;
	[tilespmem:$0x18300] =	vst v63  }
0x46: {  	_ = 	snop  }
0x47: {  	[tilespmem:s17], [sflag:$0x1] =	stream.indirect.gather [hbm4b:s3+s13], $0x80, s16, s13, $0xb8;
	[tilespmem:$0x18300] =	vst v63  }
0x48: {  	s2 =	sadd.s32 $0x0, s11  }
0x49: {  	[tilespmem:s18], [sflag:$0x5] =	stream.linear.gather [hbm4b:s2+s1], $0x180, $0x38;
	[tilespmem:$0x18300] =	vst v63  }
0x4a: {  	_ =	swait.ge [sflag:s12], $0x180  }
0x4b: {  	[sflag:s12] =	ssyncset.done $0x0  }
0x4c: {  	[sflag:s12] =	ssyncadd.s32 $0xFFFFFE80  }
0x4d: {  	_ =	swait.ge [sflag:s28], $0xC000  }
0x4e: {  	[sflag:s28] =	ssyncset.done $0x0  }
0x4f: {  	[sflag:s28] =	ssyncadd.s32 $0xFFFF4000  }
0x50: {  	[tilespmem:s19], [sflag:$0x2] =	stream.indirect.gather [hbm4b:s3+s13], $0x80, s18, s13, $0xb8;
	[tilespmem:$0x18300] =	vst v63  }
0x51: {  	_ = 	snop  }
0x52: {  	[tilespmem:s21], [sflag:$0x2] =	stream.indirect.gather [hbm4b:s3+s13], $0x80, s20, s13, $0xb8;
	[tilespmem:$0x18300] =	vst v63  }
0x53: {  	_ = 	snop  }
0x54: {  	[tilespmem:s23], [sflag:$0x2] =	stream.indirect.gather [hbm4b:s3+s13], $0x80, s22, s13, $0xb8;
	[tilespmem:$0x18300] =	vst v63  }
0x55: {  	_ =	swait.ge [sflag:s24], $0x4000  }
0x56: {  	[sflag:s24] =	ssyncset.done $0x0  }
0x57: {  	[sflag:s24] =	ssyncadd.s32 $0xFFFFC000  }
0x58: {  	_ =	swait.ge [sflag:s24], $0x4000  }
0x59: {  	[sflag:s24] =	ssyncset.done $0x0  }
0x5a: {  	[sflag:s24] =	ssyncadd.s32 $0xFFFFC000  }
0x5b: {  	_ =	swait.ge [sflag:s24], $0x4000  }
0x5c: {  	[sflag:s24] =	ssyncset.done $0x0  }
0x5d: {  	[sflag:s24] =	ssyncadd.s32 $0xFFFFC000  }
0x5e: {  	[hbm4b:s9+s1] =	stream.linear.scatter [tilespmem:s14], [sflag:$0x3], $0xC000, $0x38;
	[tilespmem:$0x18300] =	vst v63  }
0x5f: {  	_ =	swait.ge [sflag:s25], $0x4000  }
0x60: {  	[sflag:s25] =	ssyncset.done $0x0  }
0x61: {  	[sflag:s25] =	ssyncadd.s32 $0xFFFFC000  }
0x62: {  	_ =	swait.ge [sflag:s25], $0x4000  }
0x63: {  	[sflag:s25] =	ssyncset.done $0x0  }
0x64: {  	[sflag:s25] =	ssyncadd.s32 $0xFFFFC000  }
0x65: {  	_ =	swait.ge [sflag:s25], $0x4000  }
0x66: {  	s30 =	simm.s32 $0x60;
	[sflag:s25] =	ssyncset.done $0x0  }
0x67: {  	s31 =	sadd.s32 $0x3000, s9;
	s0 =	sadd.s32 $0x1800, s9;
	[sflag:s25] =	ssyncadd.s32 $0xFFFFC000  }
.LBB2_2:
0x68: {  	[hbm4b:s0+s1] =	stream.linear.scatter [tilespmem:s19], [sflag:$0x4], $0xC000, $0x38;
	[tilespmem:$0x18300] =	vst v63  }
0x69: {  	s0 =	smov.u32 s30  }
0x6a: {  	p0 =	sne.s32 s30, $0x1440;
	s30 =	sadd.s32 $0x60, s30;
	s2 =	sadd.s32 s0, s10  }
0x6b: {  	[tilespmem:s1], [sflag:$0x5] =	stream.linear.gather [hbm4b:s2+s1], $0x180, $0x38;
	[tilespmem:$0x18300] =	vst v63  }
0x6c: {  	_ =	swait.ge [sflag:s12], $0x180  }
0x6d: {  	[sflag:s12] =	ssyncset.done $0x0  }
0x6e: {  	[sflag:s12] =	ssyncadd.s32 $0xFFFFFE80  }
0x6f: {  	_ =	swait.ge [sflag:s26], $0xC000  }
0x70: {  	[sflag:s26] =	ssyncset.done $0x0  }
0x71: {  	[sflag:s26] =	ssyncadd.s32 $0xFFFF4000  }
0x72: {  	[tilespmem:s14], [sflag:$0x1] =	stream.indirect.gather [hbm4b:s3+s13], $0x80, s1, s13, $0xb8;
	[tilespmem:$0x18300] =	vst v63  }
0x73: {  	_ = 	snop  }
0x74: {  	[tilespmem:s15], [sflag:$0x1] =	stream.indirect.gather [hbm4b:s3+s13], $0x80, s13, s13, $0xb8;
	[tilespmem:$0x18300] =	vst v63  }
0x75: {  	_ = 	snop  }
0x76: {  	[tilespmem:s17], [sflag:$0x1] =	stream.indirect.gather [hbm4b:s3+s13], $0x80, s16, s13, $0xb8;
	[tilespmem:$0x18300] =	vst v63  }
0x77: {  	s0 =	sadd.s32 s0, s11  }
0x78: {  	[tilespmem:s18], [sflag:$0x5] =	stream.linear.gather [hbm4b:s0+s1], $0x180, $0x38;
	[tilespmem:$0x18300] =	vst v63  }
0x79: {  	_ =	swait.ge [sflag:s12], $0x180  }
0x7a: {  	[sflag:s12] =	ssyncset.done $0x0  }
0x7b: {  	[sflag:s12] =	ssyncadd.s32 $0xFFFFFE80  }
0x7c: {  	_ =	swait.ge [sflag:s28], $0xC000  }
0x7d: {  	[sflag:s28] =	ssyncset.done $0x0  }
0x7e: {  	[sflag:s28] =	ssyncadd.s32 $0xFFFF4000  }
0x7f: {  	[tilespmem:s19], [sflag:$0x2] =	stream.indirect.gather [hbm4b:s3+s13], $0x80, s18, s13, $0xb8;
	[tilespmem:$0x18300] =	vst v63  }
0x80: {  	_ = 	snop  }
0x81: {  	[tilespmem:s21], [sflag:$0x2] =	stream.indirect.gather [hbm4b:s3+s13], $0x80, s20, s13, $0xb8;
	[tilespmem:$0x18300] =	vst v63  }
0x82: {  	_ = 	snop  }
0x83: {  	[tilespmem:s23], [sflag:$0x2] =	stream.indirect.gather [hbm4b:s3+s13], $0x80, s22, s13, $0xb8;
	[tilespmem:$0x18300] =	vst v63  }
0x84: {  	_ =	swait.ge [sflag:s24], $0x4000  }
0x85: {  	[sflag:s24] =	ssyncset.done $0x0  }
0x86: {  	[sflag:s24] =	ssyncadd.s32 $0xFFFFC000  }
0x87: {  	_ =	swait.ge [sflag:s24], $0x4000  }
0x88: {  	[sflag:s24] =	ssyncset.done $0x0  }
0x89: {  	[sflag:s24] =	ssyncadd.s32 $0xFFFFC000  }
0x8a: {  	_ =	swait.ge [sflag:s24], $0x4000  }
0x8b: {  	[sflag:s24] =	ssyncset.done $0x0  }
0x8c: {  	[sflag:s24] =	ssyncadd.s32 $0xFFFFC000  }
0x8d: {  	[hbm4b:s31+s1] =	stream.linear.scatter [tilespmem:s14], [sflag:$0x3], $0xC000, $0x38;
	[tilespmem:$0x18300] =	vst v63  }
0x8e: {  	_ =	swait.ge [sflag:s25], $0x4000  }
0x8f: {  	[sflag:s25] =	ssyncset.done $0x0  }
0x90: {  	[sflag:s25] =	ssyncadd.s32 $0xFFFFC000  }
0x91: {  	_ =	swait.ge [sflag:s25], $0x4000  }
.Ltmp0:
0x92: {  	[sflag:s25] =	ssyncset.done $0x0;
	(pc) =	sbr.rel @p0 .LBB2_2-.Ltmp0, $4  }
0x93: {  	[sflag:s25] =	ssyncadd.s32 $0xFFFFC000  }
0x94: {  	_ =	swait.ge [sflag:s25], $0x4000  }
0x95: {  	[sflag:s25] =	ssyncset.done $0x0  }
0x96: {  	s0 =	sadd.s32 $0x1800, s31;
	s31 =	sadd.s32 $0x3000, s31;
	[sflag:s25] =	ssyncadd.s32 $0xFFFFC000  }
0x97: {  	[hbm4b:s0+s1] =	stream.linear.scatter [tilespmem:s19], [sflag:$0x4], $0xC000, $0x38;
	[tilespmem:$0x18300] =	vst v63  }
0x98: {  	s29 =	sadd.s32 $0x1, s29  }
0x99: {  	_ =	swait.ge [sflag:s26], $0xC000;
	p0 =	sne.s32 s29, s4  }
.Ltmp1:
0x9a: {  	[sflag:s26] =	ssyncset.done $0x0;
	(pc) =	sbr.rel @p0 .LBB2_1-.Ltmp1, $4  }
0x9b: {  	[sflag:s26] =	ssyncadd.s32 $0xFFFF4000  }
0x9c: {  	_ =	swait.ge [sflag:s28], $0xC000  }
0x9d: {  	[sflag:s28] =	ssyncset.done $0x0  }
0x9e: {  	[sflag:s28] =	ssyncadd.s32 $0xFFFF4000  }
0x9f: {  	_ =	sfence.sel $0x180000  }
0xa0: {  	[bflag:$0x0] =	sbarrier.arrive $0xFFFF  }
0xa1: {  	_ =	strace $0x90000047  }
0xa2: {  	s0 =	stileid.u32;
	[bflag:$0x2] =	sbarrier.arrive $0xFFFF  }
0xa3: {  	p0 =	sne.s32 s0, $0x0;
	s0 =	rddreg [dreg:$0x1]  }
0xa4: {  	s0 =	sadd.s32 @!p0 $0x100000, s0  }
0xa5: {  	[sflag:s0] =	ssyncadd.tile.s32 @!p0 $0x1;
	_ =	shalt  }
.Lfunc_end2:
_tile_overlayer_lowered:
.L_overlay_start_2:
0xa6: {  	(tag) =	ssettag $0x2  }
0xa7: {  	s0 =	rddreg [dreg:$0x0];
	s2 =	stileid.u32  }
0xa8: {  	s1 =	rddreg [dreg:$0x1];
	p0 =	sne.s32 s2, $0x0  }
0xa9: {  	s3 =	rddreg [dreg:$0x2];
	[bflag:$0x3] =	sbarrier.arrive $0xFFFF;
	s2 =	simm.s32 @!p0 $0x1C05  }
0xaa: {  	[timem:s3], [sflag:s2] =	dma.local @!p0 [hbm:s0], s1  }
0xab: {  	s0 =	simm.s32 @!p0 $0x5  }
0xac: {  	_ =	swait.ge @!p0 [sflag:s0], s1  }
0xad: {  	s1 =	ssub.s32 @!p0 $0x0, s1;
	[sflag:s0] =	ssyncset.done @!p0 $0x0  }
0xae: {  	[sflag:s0] =	ssyncadd.s32 @!p0 s1  }
0xaf: {  	[bflag:$0x3] =	sbarrier.arrive $0xFFFF  }
0xb0: {  	_ =	shalt  }

</sc_bundles>
